<compile_context>
chip_gen: v7x
topology: tpu7x:2x2x1
jax: 0.10.2.dev20260603
libtpu: 0.0.44.dev20260713+nightly
codegen_flags: <defaults>
</compile_context>

<pallas_src>
import functools

import jax
import jax.numpy as jnp
from jax import lax
from jax.experimental import pallas as pl
from jax.experimental.pallas import tpu as pltpu
from jax.experimental.pallas import tpu_sc as plsc

B = 4096
DIM = 1024
ND = 8

NC = 2
NS = 16
NW = NC * NS
BPW = B // NW
CH = 32
NCH = BPW // CH

T = 512
NT = B // T
MAXU = NT + ND - 1

RR = 32
RL = 128


def _wid():
    return lax.axis_index("s") * NC + lax.axis_index("c")


@functools.lru_cache(maxsize=None)
def _sc_kernels():
    mesh = plsc.VectorSubcoreMesh(core_axis_name="c", subcore_axis_name="s")

    sc_scratch = [
        pltpu.VMEM((BPW,), jnp.int32),
        pltpu.VMEM((NCH, CH), jnp.int32),
        pltpu.VMEM((CH, DIM), jnp.float32),
        pltpu.VMEM((CH, DIM), jnp.float32),
        pltpu.SemaphoreType.DMA,
        pltpu.SemaphoreType.DMA,
        pltpu.SemaphoreType.DMA,
        pltpu.SemaphoreType.DMA,
    ]

    def _load_idx(idx_hbm, idx1, idx_v):
        pltpu.sync_copy(idx_hbm.at[_wid()], idx1)
        for k in range(BPW // 16):
            idx_v[k // (CH // 16), pl.ds((k % (CH // 16)) * 16, 16)] = (
                idx1[pl.ds(k * 16, 16)])

    @functools.partial(
        pl.kernel,
        mesh=mesh,
        out_type=jax.ShapeDtypeStruct((B, DIM), jnp.float32),
        scratch_types=sc_scratch,
    )
    def sc_dispatch(mu_hbm, idx_hbm, o_hbm, idx1, idx_v, buf0, buf1,
                    si0, si1, so0, so1):
        base = _wid() * BPW
        _load_idx(idx_hbm, idx1, idx_v)
        bufs, sin, sout = (buf0, buf1), (si0, si1), (so0, so1)
        cp_in, cp_out = {}, {}
        for ch in range(min(2, NCH)):
            cp_in[ch] = pltpu.async_copy(
                mu_hbm.at[pl.ds(base + ch * CH, CH)], bufs[ch % 2], sin[ch % 2])
        for ch in range(NCH):
            b = ch % 2
            cp_in[ch].wait()
            cp_out[ch] = pltpu.async_copy(bufs[b], o_hbm.at[idx_v.at[ch]], sout[b])
            if ch + 2 < NCH:
                cp_out[ch].wait()
                cp_in[ch + 2] = pltpu.async_copy(
                    mu_hbm.at[pl.ds(base + (ch + 2) * CH, CH)], bufs[b], sin[b])
        for ch in range(max(0, NCH - 2), NCH):
            cp_out[ch].wait()

    @functools.partial(
        pl.kernel,
        mesh=mesh,
        out_type=jax.ShapeDtypeStruct((B, DIM), jnp.float32),
        scratch_types=sc_scratch,
    )
    def sc_combine(ys_hbm, idx_hbm, o_hbm, idx1, idx_v, buf0, buf1,
                   si0, si1, so0, so1):
        del buf1, si1, so0, so1
        base = _wid() * BPW
        _load_idx(idx_hbm, idx1, idx_v)
        for ch in range(NCH):
            pltpu.async_copy(ys_hbm.at[idx_v.at[ch]], buf0, si0).wait()
            pltpu.sync_copy(buf0, o_hbm.at[pl.ds(base + ch * CH, CH)])

    return sc_dispatch, sc_combine


def _route_body(ids_ref, pos_ref, wk_ref):
    ids = ids_ref[...]
    tri_l = (lax.broadcasted_iota(jnp.int32, (RL, RL), 0) <=
             lax.broadcasted_iota(jnp.int32, (RL, RL), 1)).astype(jnp.float32)
    tri_r = (lax.broadcasted_iota(jnp.int32, (RR, RR), 1) <
             lax.broadcasted_iota(jnp.int32, (RR, RR), 0)).astype(jnp.float32)

    pos = jnp.zeros((RR, RL), jnp.float32)
    off = jnp.float32(0.0)
    offs = []
    for d in range(ND):
        offs.append(off)
        eq = (ids == d).astype(jnp.float32)
        prefix = lax.dot_general(eq, tri_l, (((1,), (0,)), ((), ())),
                                 preferred_element_type=jnp.float32)
        t = jnp.sum(eq, axis=1, keepdims=True)
        before = lax.dot_general(tri_r, t, (((1,), (0,)), ((), ())),
                                 preferred_element_type=jnp.float32)
        rank = before + prefix - eq
        pos = pos + eq * (off + rank)
        off = off + jnp.sum(t)
    offs.append(off)
    pos_ref[...] = pos.astype(jnp.int32)

    ioffs = [o.astype(jnp.int32) for o in offs]
    u = lax.broadcasted_iota(jnp.int32, (1, RL), 1)
    starts_g = []
    start = jnp.int32(0)
    fg_l, ng_l = [], []
    for g in range(ND):
        cnt = ioffs[g + 1] - ioffs[g]
        fg = jnp.minimum(ioffs[g] // T, NT - 1)
        lg = jnp.maximum(ioffs[g + 1] - 1, 0) // T
        ng = jnp.where(cnt > 0, lg - fg + 1, 1)
        starts_g.append(start)
        fg_l.append(fg)
        ng_l.append(ng)
        start = start + ng
    total = start
    uc = jnp.minimum(u, total - 1)
    g_of = jnp.zeros((1, RL), jnp.int32)
    for g in range(ND):
        g_of = g_of + (starts_g[g] <= uc).astype(jnp.int32)
    g_of = g_of - 1
    m_of = jnp.zeros((1, RL), jnp.int32)
    lo = jnp.zeros((1, RL), jnp.int32)
    hi = jnp.zeros((1, RL), jnp.int32)
    for g in range(ND):
        sel = (g_of == g)
        m_g = fg_l[g] + (uc - starts_g[g])
        m_of = jnp.where(sel, m_g, m_of)
        lo = jnp.where(sel, jnp.maximum(ioffs[g], m_g * T), lo)
        hi = jnp.where(sel, jnp.minimum(ioffs[g + 1], (m_g + 1) * T), hi)
    valid = u < total
    lo = jnp.where(valid, lo, 0)
    hi = jnp.where(valid, hi, 0)
    wk_ref[0:1, :] = m_of
    wk_ref[1:2, :] = g_of
    wk_ref[2:3, :] = lo
    wk_ref[3:4, :] = hi


def _routing(ids2):
    return pl.pallas_call(
        _route_body,
        out_shape=[
            jax.ShapeDtypeStruct((RR, RL), jnp.int32),
            jax.ShapeDtypeStruct((4, RL), jnp.int32),
        ],
    )(ids2)


def _mm_body(wk_ref, xs_ref, w_ref, o_ref):
    u = pl.program_id(0)
    up = jnp.maximum(u - 1, 0)
    m = wk_ref[0, u]
    first_m = jnp.logical_or(u == 0, wk_ref[0, up] != m)

    @pl.when(first_m)
    def _():
        o_ref[...] = jnp.zeros_like(o_ref)

    rows = m * T + lax.broadcasted_iota(jnp.int32, (T, 1), 0)
    mask = jnp.logical_and(rows >= wk_ref[2, u], rows < wk_ref[3, u])
    xw = lax.dot_general(
        xs_ref[...], w_ref[0],
        (((1,), (1,)), ((), ())),
        preferred_element_type=jnp.float32,
    )
    o_ref[...] += jnp.where(mask, xw, 0.0)


def _grouped_matmul(wk, xs, W):
    grid_spec = pltpu.PrefetchScalarGridSpec(
        num_scalar_prefetch=1,
        grid=(MAXU,),
        in_specs=[
            pl.BlockSpec((T, DIM), lambda u, wk: (wk[0, u], 0)),
            pl.BlockSpec((1, DIM, DIM), lambda u, wk: (wk[1, u], 0, 0)),
        ],
        out_specs=pl.BlockSpec((T, DIM), lambda u, wk: (wk[0, u], 0)),
    )
    return pl.pallas_call(
        _mm_body,
        grid_spec=grid_spec,
        out_shape=jax.ShapeDtypeStruct((B, DIM), jnp.float32),
    )(wk, xs, W)


def _reg_body(w_ref, dep_ref, o_ref, acc_ref, sq_ref):
    del dep_ref
    i = pl.program_id(0)
    w = w_ref[0]

    @pl.when(i == 0)
    def _():
        acc_ref[...] = w
        sq_ref[...] = w * w

    @pl.when(i != 0)
    def _():
        acc_ref[...] += w
        sq_ref[...] += w * w

    @pl.when(i == ND - 1)
    def _():
        a = acc_ref[...] * (1.0 / ND)
        o_ref[0, 0] = jnp.sum(sq_ref[...]) * (1.0 / (ND * DIM * DIM)) - jnp.sum(
            a * a) * (1.0 / (DIM * DIM))


def _reg_loss(W, dep):
    return pl.pallas_call(
        _reg_body,
        grid=(ND,),
        in_specs=[
            pl.BlockSpec((1, DIM, DIM), lambda i: (i, 0, 0)),
            pl.BlockSpec((8, 128), lambda i: (0, 0)),
        ],
        out_specs=pl.BlockSpec((1, 1), lambda i: (0, 0), memory_space=pltpu.SMEM),
        out_shape=jax.ShapeDtypeStruct((1, 1), jnp.float32),
        scratch_shapes=[
            pltpu.VMEM((DIM, DIM), jnp.float32),
            pltpu.VMEM((DIM, DIM), jnp.float32),
        ],
    )(W, dep)


def kernel(mu, domain_ids, W):
    ids2 = domain_ids.astype(jnp.int32).reshape(RR, RL)
    pos, wk = _routing(ids2)

    sc_dispatch, sc_combine = _sc_kernels()
    xs = sc_dispatch(mu, pos)
    ys = _grouped_matmul(wk, xs, W)
    out = sc_combine(ys, pos)
    reg = _reg_loss(W, ys)
    return out, reg[0, 0]

# --- scband reference (transcript-rebuilt; emitter-appended) ---
"""Pipeline reference for scband-domain-projection-ldp-12455405158618 (READ-ONLY COPY).

The authoritative reference and input builder live on the scoring server;
editing this copy changes nothing except your own understanding.
"""

import jax, jax.numpy as jnp
import numpy as np

DIM = 1024
NUM_DOMAINS = 8
B = 4096

def setup_inputs(seed: int = 0) -> dict:
    key = jax.random.key(seed)
    k1, k2, k3 = jax.random.split(key, 3)
    mu = jax.random.normal(k1, (B, DIM), dtype=jnp.float32)
    domain_ids = jax.random.randint(k2, (B,), 0, NUM_DOMAINS)
    # Learned params: one Linear(dim, dim, bias=False) weight per domain, shape (num_domains, dim, dim)
    # torch nn.Linear default init: U(-1/sqrt(dim), 1/sqrt(dim))
    bound = 1.0 / np.sqrt(DIM)
    W = jax.random.uniform(k3, (NUM_DOMAINS, DIM, DIM), dtype=jnp.float32, minval=-bound, maxval=bound)
    return {"mu": mu, "domain_ids": domain_ids, "W": W}

def reference(mu, domain_ids, W):
    num_domains = W.shape[0]
    # forward: route each token to its domain projection A_i = W_i.T (x @ weight.t())
    mu_tilde = jnp.zeros_like(mu)
    for i in range(num_domains):
        mask = (domain_ids == i)
        proj_i = mu @ W[i].T
        mu_tilde = jnp.where(mask[:, None], proj_i, mu_tilde)
    # reg loss: mean over domains of MSE(W_i, W_mean)
    A_mean = jnp.mean(W, axis=0)
    losses = jnp.stack([jnp.mean((W[i] - A_mean) ** 2) for i in range(num_domains)])
    reg_loss = jnp.mean(losses)
    # dropout_p = 0 -> identity
    return (mu_tilde, reg_loss)

if __name__ == "__main__":
    import jax
    _d = setup_inputs()
    print(jax.jit(kernel)(*tuple(_d.values())))

</pallas_src>

<mosaic_0001>
#map = affine_map<(d0, d1) -> (0, 0)>
module attributes {stable_mosaic.version = 14 : i64} {
  func.func @sc_combine(%arg0: i32, %arg1: i32, %arg2: memref<4096x1024xf32, #tpu.memory_space<hbm>>, %arg3: memref<32x128xi32, #tpu.memory_space<hbm>>, %arg4: memref<4096x1024xf32, #tpu.memory_space<hbm>>, %arg5: memref<128xi32, #tpu.memory_space<vmem>>, %arg6: memref<4x32xi32, #tpu.memory_space<vmem>>, %arg7: memref<32x1024xf32, #tpu.memory_space<vmem>>, %arg8: memref<32x1024xf32, #tpu.memory_space<vmem>>, %arg9: memref<!tpu.dma_semaphore, #tpu.memory_space<semaphore_mem>>, %arg10: memref<!tpu.dma_semaphore, #tpu.memory_space<semaphore_mem>>, %arg11: memref<!tpu.dma_semaphore, #tpu.memory_space<semaphore_mem>>, %arg12: memref<!tpu.dma_semaphore, #tpu.memory_space<semaphore_mem>>) attributes {dimension_semantics = [#tpu.dimension_semantics<core_parallel>, #tpu.dimension_semantics<subcore_parallel>], iteration_bounds = array<i64: 2, 16>, scalar_prefetch = 0 : i64, scratch_operands = 8 : i64, tpu.core_type = #tpu.core_type<sc_vector_subcore>, window_params = [{transform_indices = #map}, {transform_indices = #map}, {transform_indices = #map}]} {
    %mul3A = arith.constant 2 : i32
    %mul3A_0 = arith.muli %arg1, %mul3A : i32
    %add3A = arith.addi %mul3A_0, %arg0 : i32
    %mul3A_1 = arith.constant 128 : i32
    %mul3A_2 = arith.muli %add3A, %mul3A_1 : i32
    %mul3A_3 = arith.constant 2 : i32
    %mul3A_4 = arith.muli %arg1, %mul3A_3 : i32
    %add3A_5 = arith.addi %mul3A_4, %arg0 : i32
    "tpu.region"() ({
      %run_scoped3A = tpu.sem_alloc : memref<!tpu.dma_semaphore, #tpu.memory_space<semaphore_mem>>
      %dma_start3A_138 = arith.constant 0 : i32
      %dma_start3A_139 = tpu.memref_slice %arg3[%add3A_5, %dma_start3A_138] : memref<32x128xi32, #tpu.memory_space<hbm>> -> memref<1x128xi32, #tpu.memory_space<hbm>>
      %dma_start3A_140 = tpu.memref_squeeze %dma_start3A_139 : memref<1x128xi32, #tpu.memory_space<hbm>> -> memref<128xi32, #tpu.memory_space<hbm>>
      %dma_start3A_141 = arith.constant 0 : i32
      %dma_start3A_142 = tpu.memref_slice %arg3[%add3A_5, %dma_start3A_141] : memref<32x128xi32, #tpu.memory_space<hbm>> -> memref<1x128xi32, #tpu.memory_space<hbm>>
      %dma_start3A_143 = tpu.memref_squeeze %dma_start3A_142 : memref<1x128xi32, #tpu.memory_space<hbm>> -> memref<128xi32, #tpu.memory_space<hbm>>
      tpu.enqueue_dma source(%dma_start3A_143 : memref<128xi32, #tpu.memory_space<hbm>>) target(%arg5 : memref<128xi32, #tpu.memory_space<vmem>>) target_semaphore(%run_scoped3A : memref<!tpu.dma_semaphore, #tpu.memory_space<semaphore_mem>>)
      %dma_wait3A_144 = arith.constant 0 : i32
      %dma_wait3A_145 = tpu.memref_slice %arg3[%add3A_5, %dma_wait3A_144] : memref<32x128xi32, #tpu.memory_space<hbm>> -> memref<1x128xi32, #tpu.memory_space<hbm>>
      %dma_wait3A_146 = tpu.memref_squeeze %dma_wait3A_145 : memref<1x128xi32, #tpu.memory_space<hbm>> -> memref<128xi32, #tpu.memory_space<hbm>>
      %dma_wait3A_147 = arith.constant 0 : i32
      %dma_wait3A_148 = tpu.memref_slice %arg3[%add3A_5, %dma_wait3A_147] : memref<32x128xi32, #tpu.memory_space<hbm>> -> memref<1x128xi32, #tpu.memory_space<hbm>>
      %dma_wait3A_149 = tpu.memref_squeeze %dma_wait3A_148 : memref<1x128xi32, #tpu.memory_space<hbm>> -> memref<128xi32, #tpu.memory_space<hbm>>
      tpu.wait_dma2 semaphore(%run_scoped3A : memref<!tpu.dma_semaphore, #tpu.memory_space<semaphore_mem>>) src(%dma_wait3A_149 : memref<128xi32, #tpu.memory_space<hbm>>) dst(%arg5 : memref<128xi32, #tpu.memory_space<vmem>>)
      tpu.yield
    }) : () -> ()
    %get3A = arith.constant 0 : index
    %get3A_6 = tpu.vector_load %arg5[%get3A] {strides = array<i32>} : memref<128xi32, #tpu.memory_space<vmem>>, vector<16xi32>,
    %get3A_7 = vector.shape_cast %get3A_6 : vector<16xi32> to vector<16xi32>
    %swap3A = arith.constant 0 : i32
    %swap3A_8 = arith.index_cast %swap3A : i32 to index
    %swap3A_9 = arith.constant 0 : index
    %swap3A_10 = tpu.vector_load %arg6[%swap3A_8, %swap3A_9] {strides = array<i32>} : memref<4x32xi32, #tpu.memory_space<vmem>>, vector<1x16xi32>,
    %swap3A_11 = vector.shape_cast %swap3A_10 : vector<1x16xi32> to vector<16xi32>
    %swap3A_12 = vector.shape_cast %get3A_7 : vector<16xi32> to vector<1x16xi32>
    tpu.vector_store %arg6[%swap3A_8, %swap3A_9], %swap3A_12 {strides = array<i32>} : memref<4x32xi32, #tpu.memory_space<vmem>>, vector<1x16xi32>,
    %get3A_13 = arith.constant 16 : index
    %get3A_14 = tpu.vector_load %arg5[%get3A_13] {strides = array<i32>} : memref<128xi32, #tpu.memory_space<vmem>>, vector<16xi32>,
    %get3A_15 = vector.shape_cast %get3A_14 : vector<16xi32> to vector<16xi32>
    %swap3A_16 = arith.constant 0 : i32
    %swap3A_17 = arith.index_cast %swap3A_16 : i32 to index
    %swap3A_18 = arith.constant 16 : index
    %swap3A_19 = tpu.vector_load %arg6[%swap3A_17, %swap3A_18] {strides = array<i32>} : memref<4x32xi32, #tpu.memory_space<vmem>>, vector<1x16xi32>,
    %swap3A_20 = vector.shape_cast %swap3A_19 : vector<1x16xi32> to vector<16xi32>
    %swap3A_21 = vector.shape_cast %get3A_15 : vector<16xi32> to vector<1x16xi32>
    tpu.vector_store %arg6[%swap3A_17, %swap3A_18], %swap3A_21 {strides = array<i32>} : memref<4x32xi32, #tpu.memory_space<vmem>>, vector<1x16xi32>,
    %get3A_22 = arith.constant 32 : index
    %get3A_23 = tpu.vector_load %arg5[%get3A_22] {strides = array<i32>} : memref<128xi32, #tpu.memory_space<vmem>>, vector<16xi32>,
    %get3A_24 = vector.shape_cast %get3A_23 : vector<16xi32> to vector<16xi32>
    %swap3A_25 = arith.constant 1 : i32
    %swap3A_26 = arith.index_cast %swap3A_25 : i32 to index
    %swap3A_27 = arith.constant 0 : index
    %swap3A_28 = tpu.vector_load %arg6[%swap3A_26, %swap3A_27] {strides = array<i32>} : memref<4x32xi32, #tpu.memory_space<vmem>>, vector<1x16xi32>,
    %swap3A_29 = vector.shape_cast %swap3A_28 : vector<1x16xi32> to vector<16xi32>
    %swap3A_30 = vector.shape_cast %get3A_24 : vector<16xi32> to vector<1x16xi32>
    tpu.vector_store %arg6[%swap3A_26, %swap3A_27], %swap3A_30 {strides = array<i32>} : memref<4x32xi32, #tpu.memory_space<vmem>>, vector<1x16xi32>,
    %get3A_31 = arith.constant 48 : index
    %get3A_32 = tpu.vector_load %arg5[%get3A_31] {strides = array<i32>} : memref<128xi32, #tpu.memory_space<vmem>>, vector<16xi32>,
    %get3A_33 = vector.shape_cast %get3A_32 : vector<16xi32> to vector<16xi32>
    %swap3A_34 = arith.constant 1 : i32
    %swap3A_35 = arith.index_cast %swap3A_34 : i32 to index
    %swap3A_36 = arith.constant 16 : index
    %swap3A_37 = tpu.vector_load %arg6[%swap3A_35, %swap3A_36] {strides = array<i32>} : memref<4x32xi32, #tpu.memory_space<vmem>>, vector<1x16xi32>,
    %swap3A_38 = vector.shape_cast %swap3A_37 : vector<1x16xi32> to vector<16xi32>
    %swap3A_39 = vector.shape_cast %get3A_33 : vector<16xi32> to vector<1x16xi32>
    tpu.vector_store %arg6[%swap3A_35, %swap3A_36], %swap3A_39 {strides = array<i32>} : memref<4x32xi32, #tpu.memory_space<vmem>>, vector<1x16xi32>,
    %get3A_40 = arith.constant 64 : index
    %get3A_41 = tpu.vector_load %arg5[%get3A_40] {strides = array<i32>} : memref<128xi32, #tpu.memory_space<vmem>>, vector<16xi32>,
    %get3A_42 = vector.shape_cast %get3A_41 : vector<16xi32> to vector<16xi32>
    %swap3A_43 = arith.constant 2 : i32
    %swap3A_44 = arith.index_cast %swap3A_43 : i32 to index
    %swap3A_45 = arith.constant 0 : index
    %swap3A_46 = tpu.vector_load %arg6[%swap3A_44, %swap3A_45] {strides = array<i32>} : memref<4x32xi32, #tpu.memory_space<vmem>>, vector<1x16xi32>,
    %swap3A_47 = vector.shape_cast %swap3A_46 : vector<1x16xi32> to vector<16xi32>
    %swap3A_48 = vector.shape_cast %get3A_42 : vector<16xi32> to vector<1x16xi32>
    tpu.vector_store %arg6[%swap3A_44, %swap3A_45], %swap3A_48 {strides = array<i32>} : memref<4x32xi32, #tpu.memory_space<vmem>>, vector<1x16xi32>,
    %get3A_49 = arith.constant 80 : index
    %get3A_50 = tpu.vector_load %arg5[%get3A_49] {strides = array<i32>} : memref<128xi32, #tpu.memory_space<vmem>>, vector<16xi32>,
    %get3A_51 = vector.shape_cast %get3A_50 : vector<16xi32> to vector<16xi32>
    %swap3A_52 = arith.constant 2 : i32
    %swap3A_53 = arith.index_cast %swap3A_52 : i32 to index
    %swap3A_54 = arith.constant 16 : index
    %swap3A_55 = tpu.vector_load %arg6[%swap3A_53, %swap3A_54] {strides = array<i32>} : memref<4x32xi32, #tpu.memory_space<vmem>>, vector<1x16xi32>,
    %swap3A_56 = vector.shape_cast %swap3A_55 : vector<1x16xi32> to vector<16xi32>
    %swap3A_57 = vector.shape_cast %get3A_51 : vector<16xi32> to vector<1x16xi32>
    tpu.vector_store %arg6[%swap3A_53, %swap3A_54], %swap3A_57 {strides = array<i32>} : memref<4x32xi32, #tpu.memory_space<vmem>>, vector<1x16xi32>,
    %get3A_58 = arith.constant 96 : index
    %get3A_59 = tpu.vector_load %arg5[%get3A_58] {strides = array<i32>} : memref<128xi32, #tpu.memory_space<vmem>>, vector<16xi32>,
    %get3A_60 = vector.shape_cast %get3A_59 : vector<16xi32> to vector<16xi32>
    %swap3A_61 = arith.constant 3 : i32
    %swap3A_62 = arith.index_cast %swap3A_61 : i32 to index
    %swap3A_63 = arith.constant 0 : index
    %swap3A_64 = tpu.vector_load %arg6[%swap3A_62, %swap3A_63] {strides = array<i32>} : memref<4x32xi32, #tpu.memory_space<vmem>>, vector<1x16xi32>,
    %swap3A_65 = vector.shape_cast %swap3A_64 : vector<1x16xi32> to vector<16xi32>
    %swap3A_66 = vector.shape_cast %get3A_60 : vector<16xi32> to vector<1x16xi32>
    tpu.vector_store %arg6[%swap3A_62, %swap3A_63], %swap3A_66 {strides = array<i32>} : memref<4x32xi32, #tpu.memory_space<vmem>>, vector<1x16xi32>,
    %get3A_67 = arith.constant 112 : index
    %get3A_68 = tpu.vector_load %arg5[%get3A_67] {strides = array<i32>} : memref<128xi32, #tpu.memory_space<vmem>>, vector<16xi32>,
    %get3A_69 = vector.shape_cast %get3A_68 : vector<16xi32> to vector<16xi32>
    %swap3A_70 = arith.constant 3 : i32
    %swap3A_71 = arith.index_cast %swap3A_70 : i32 to index
    %swap3A_72 = arith.constant 16 : index
    %swap3A_73 = tpu.vector_load %arg6[%swap3A_71, %swap3A_72] {strides = array<i32>} : memref<4x32xi32, #tpu.memory_space<vmem>>, vector<1x16xi32>,
    %swap3A_74 = vector.shape_cast %swap3A_73 : vector<1x16xi32> to vector<16xi32>
    %swap3A_75 = vector.shape_cast %get3A_69 : vector<16xi32> to vector<1x16xi32>
    tpu.vector_store %arg6[%swap3A_71, %swap3A_72], %swap3A_75 {strides = array<i32>} : memref<4x32xi32, #tpu.memory_space<vmem>>, vector<1x16xi32>,
    %dma_start3A = arith.constant 0 : i32
    %dma_start3A_76 = arith.constant 0 : i32
    %dma_start3A_77 = tpu.memref_slice %arg6[%dma_start3A, %dma_start3A_76] : memref<4x32xi32, #tpu.memory_space<vmem>> -> memref<1x32xi32, #tpu.memory_space<vmem>>
    %dma_start3A_78 = tpu.memref_squeeze %dma_start3A_77 : memref<1x32xi32, #tpu.memory_space<vmem>> -> memref<32xi32, #tpu.memory_space<vmem>>
    %dma_start3A_79 = arith.constant 0 : i32
    %dma_start3A_80 = arith.constant 0 : i32
    %dma_start3A_81 = tpu.memref_slice %arg2[%dma_start3A_79, %dma_start3A_80] : memref<4096x1024xf32, #tpu.memory_space<hbm>> -> memref<4096x1024xf32, #tpu.memory_space<hbm>>
    tpu.enqueue_indirect_dma source(%dma_start3A_81 : memref<4096x1024xf32, #tpu.memory_space<hbm>>) target(%arg7 : memref<32x1024xf32, #tpu.memory_space<vmem>>) offsets(%dma_start3A_78 : memref<32xi32, #tpu.memory_space<vmem>>) semaphore(%arg9 : memref<!tpu.dma_semaphore, #tpu.memory_space<semaphore_mem>>)
    %dma_wait3A = arith.constant 0 : i32
    %dma_wait3A_82 = arith.constant 0 : i32
    %dma_wait3A_83 = tpu.memref_slice %arg6[%dma_wait3A, %dma_wait3A_82] : memref<4x32xi32, #tpu.memory_space<vmem>> -> memref<1x32xi32, #tpu.memory_space<vmem>>
    %dma_wait3A_84 = tpu.memref_squeeze %dma_wait3A_83 : memref<1x32xi32, #tpu.memory_space<vmem>> -> memref<32xi32, #tpu.memory_space<vmem>>
    %dma_wait3A_85 = arith.constant 0 : i32
    %dma_wait3A_86 = arith.constant 0 : i32
    %dma_wait3A_87 = tpu.memref_slice %arg2[%dma_wait3A_85, %dma_wait3A_86] : memref<4096x1024xf32, #tpu.memory_space<hbm>> -> memref<4096x1024xf32, #tpu.memory_space<hbm>>
    tpu.wait_indirect_dma semaphore(%arg9 : memref<!tpu.dma_semaphore, #tpu.memory_space<semaphore_mem>>) src(%dma_wait3A_87 : memref<4096x1024xf32, #tpu.memory_space<hbm>>) dst(%arg7 : memref<32x1024xf32, #tpu.memory_space<vmem>>)
    %add3A_88 = arith.constant 0 : i32
    %add3A_89 = arith.addi %mul3A_2, %add3A_88 : i32
    "tpu.region"() ({
      %run_scoped3A = tpu.sem_alloc : memref<!tpu.dma_semaphore, #tpu.memory_space<semaphore_mem>>
      %dma_start3A_138 = arith.constant 0 : i32
      %dma_start3A_139 = tpu.memref_slice %arg4[%add3A_89, %dma_start3A_138] : memref<4096x1024xf32, #tpu.memory_space<hbm>> -> memref<32x1024xf32, #tpu.memory_space<hbm>>
      %dma_start3A_140 = arith.constant 0 : i32
      %dma_start3A_141 = tpu.memref_slice %arg4[%add3A_89, %dma_start3A_140] : memref<4096x1024xf32, #tpu.memory_space<hbm>> -> memref<32x1024xf32, #tpu.memory_space<hbm>>
      tpu.enqueue_dma source(%arg7 : memref<32x1024xf32, #tpu.memory_space<vmem>>) target(%dma_start3A_141 : memref<32x1024xf32, #tpu.memory_space<hbm>>) target_semaphore(%run_scoped3A : memref<!tpu.dma_semaphore, #tpu.memory_space<semaphore_mem>>)
      %dma_wait3A_142 = arith.constant 0 : i32
      %dma_wait3A_143 = tpu.memref_slice %arg4[%add3A_89, %dma_wait3A_142] : memref<4096x1024xf32, #tpu.memory_space<hbm>> -> memref<32x1024xf32, #tpu.memory_space<hbm>>
      %dma_wait3A_144 = arith.constant 0 : i32
      %dma_wait3A_145 = tpu.memref_slice %arg4[%add3A_89, %dma_wait3A_144] : memref<4096x1024xf32, #tpu.memory_space<hbm>> -> memref<32x1024xf32, #tpu.memory_space<hbm>>
      tpu.wait_dma2 semaphore(%run_scoped3A : memref<!tpu.dma_semaphore, #tpu.memory_space<semaphore_mem>>) src(%arg7 : memref<32x1024xf32, #tpu.memory_space<vmem>>) dst(%dma_wait3A_145 : memref<32x1024xf32, #tpu.memory_space<hbm>>)
      tpu.yield
    }) : () -> ()
    %dma_start3A_90 = arith.constant 1 : i32
    %dma_start3A_91 = arith.constant 0 : i32
    %dma_start3A_92 = tpu.memref_slice %arg6[%dma_start3A_90, %dma_start3A_91] : memref<4x32xi32, #tpu.memory_space<vmem>> -> memref<1x32xi32, #tpu.memory_space<vmem>>
    %dma_start3A_93 = tpu.memref_squeeze %dma_start3A_92 : memref<1x32xi32, #tpu.memory_space<vmem>> -> memref<32xi32, #tpu.memory_space<vmem>>
    %dma_start3A_94 = arith.constant 0 : i32
    %dma_start3A_95 = arith.constant 0 : i32
    %dma_start3A_96 = tpu.memref_slice %arg2[%dma_start3A_94, %dma_start3A_95] : memref<4096x1024xf32, #tpu.memory_space<hbm>> -> memref<4096x1024xf32, #tpu.memory_space<hbm>>
    tpu.enqueue_indirect_dma source(%dma_start3A_96 : memref<4096x1024xf32, #tpu.memory_space<hbm>>) target(%arg7 : memref<32x1024xf32, #tpu.memory_space<vmem>>) offsets(%dma_start3A_93 : memref<32xi32, #tpu.memory_space<vmem>>) semaphore(%arg9 : memref<!tpu.dma_semaphore, #tpu.memory_space<semaphore_mem>>)
    %dma_wait3A_97 = arith.constant 1 : i32
    %dma_wait3A_98 = arith.constant 0 : i32
    %dma_wait3A_99 = tpu.memref_slice %arg6[%dma_wait3A_97, %dma_wait3A_98] : memref<4x32xi32, #tpu.memory_space<vmem>> -> memref<1x32xi32, #tpu.memory_space<vmem>>
    %dma_wait3A_100 = tpu.memref_squeeze %dma_wait3A_99 : memref<1x32xi32, #tpu.memory_space<vmem>> -> memref<32xi32, #tpu.memory_space<vmem>>
    %dma_wait3A_101 = arith.constant 0 : i32
    %dma_wait3A_102 = arith.constant 0 : i32
    %dma_wait3A_103 = tpu.memref_slice %arg2[%dma_wait3A_101, %dma_wait3A_102] : memref<4096x1024xf32, #tpu.memory_space<hbm>> -> memref<4096x1024xf32, #tpu.memory_space<hbm>>
    tpu.wait_indirect_dma semaphore(%arg9 : memref<!tpu.dma_semaphore, #tpu.memory_space<semaphore_mem>>) src(%dma_wait3A_103 : memref<4096x1024xf32, #tpu.memory_space<hbm>>) dst(%arg7 : memref<32x1024xf32, #tpu.memory_space<vmem>>)
    %add3A_104 = arith.constant 32 : i32
    %add3A_105 = arith.addi %mul3A_2, %add3A_104 : i32
    "tpu.region"() ({
      %run_scoped3A = tpu.sem_alloc : memref<!tpu.dma_semaphore, #tpu.memory_space<semaphore_mem>>
      %dma_start3A_138 = arith.constant 0 : i32
      %dma_start3A_139 = tpu.memref_slice %arg4[%add3A_105, %dma_start3A_138] : memref<4096x1024xf32, #tpu.memory_space<hbm>> -> memref<32x1024xf32, #tpu.memory_space<hbm>>
      %dma_start3A_140 = arith.constant 0 : i32
      %dma_start3A_141 = tpu.memref_slice %arg4[%add3A_105, %dma_start3A_140] : memref<4096x1024xf32, #tpu.memory_space<hbm>> -> memref<32x1024xf32, #tpu.memory_space<hbm>>
      tpu.enqueue_dma source(%arg7 : memref<32x1024xf32, #tpu.memory_space<vmem>>) target(%dma_start3A_141 : memref<32x1024xf32, #tpu.memory_space<hbm>>) target_semaphore(%run_scoped3A : memref<!tpu.dma_semaphore, #tpu.memory_space<semaphore_mem>>)
      %dma_wait3A_142 = arith.constant 0 : i32
      %dma_wait3A_143 = tpu.memref_slice %arg4[%add3A_105, %dma_wait3A_142] : memref<4096x1024xf32, #tpu.memory_space<hbm>> -> memref<32x1024xf32, #tpu.memory_space<hbm>>
      %dma_wait3A_144 = arith.constant 0 : i32
      %dma_wait3A_145 = tpu.memref_slice %arg4[%add3A_105, %dma_wait3A_144] : memref<4096x1024xf32, #tpu.memory_space<hbm>> -> memref<32x1024xf32, #tpu.memory_space<hbm>>
      tpu.wait_dma2 semaphore(%run_scoped3A : memref<!tpu.dma_semaphore, #tpu.memory_space<semaphore_mem>>) src(%arg7 : memref<32x1024xf32, #tpu.memory_space<vmem>>) dst(%dma_wait3A_145 : memref<32x1024xf32, #tpu.memory_space<hbm>>)
      tpu.yield
    }) : () -> ()
    %dma_start3A_106 = arith.constant 2 : i32
    %dma_start3A_107 = arith.constant 0 : i32
    %dma_start3A_108 = tpu.memref_slice %arg6[%dma_start3A_106, %dma_start3A_107] : memref<4x32xi32, #tpu.memory_space<vmem>> -> memref<1x32xi32, #tpu.memory_space<vmem>>
    %dma_start3A_109 = tpu.memref_squeeze %dma_start3A_108 : memref<1x32xi32, #tpu.memory_space<vmem>> -> memref<32xi32, #tpu.memory_space<vmem>>
    %dma_start3A_110 = arith.constant 0 : i32
    %dma_start3A_111 = arith.constant 0 : i32
    %dma_start3A_112 = tpu.memref_slice %arg2[%dma_start3A_110, %dma_start3A_111] : memref<4096x1024xf32, #tpu.memory_space<hbm>> -> memref<4096x1024xf32, #tpu.memory_space<hbm>>
    tpu.enqueue_indirect_dma source(%dma_start3A_112 : memref<4096x1024xf32, #tpu.memory_space<hbm>>) target(%arg7 : memref<32x1024xf32, #tpu.memory_space<vmem>>) offsets(%dma_start3A_109 : memref<32xi32, #tpu.memory_space<vmem>>) semaphore(%arg9 : memref<!tpu.dma_semaphore, #tpu.memory_space<semaphore_mem>>)
    %dma_wait3A_113 = arith.constant 2 : i32
    %dma_wait3A_114 = arith.constant 0 : i32
    %dma_wait3A_115 = tpu.memref_slice %arg6[%dma_wait3A_113, %dma_wait3A_114] : memref<4x32xi32, #tpu.memory_space<vmem>> -> memref<1x32xi32, #tpu.memory_space<vmem>>
    %dma_wait3A_116 = tpu.memref_squeeze %dma_wait3A_115 : memref<1x32xi32, #tpu.memory_space<vmem>> -> memref<32xi32, #tpu.memory_space<vmem>>
    %dma_wait3A_117 = arith.constant 0 : i32
    %dma_wait3A_118 = arith.constant 0 : i32
    %dma_wait3A_119 = tpu.memref_slice %arg2[%dma_wait3A_117, %dma_wait3A_118] : memref<4096x1024xf32, #tpu.memory_space<hbm>> -> memref<4096x1024xf32, #tpu.memory_space<hbm>>
    tpu.wait_indirect_dma semaphore(%arg9 : memref<!tpu.dma_semaphore, #tpu.memory_space<semaphore_mem>>) src(%dma_wait3A_119 : memref<4096x1024xf32, #tpu.memory_space<hbm>>) dst(%arg7 : memref<32x1024xf32, #tpu.memory_space<vmem>>)
    %add3A_120 = arith.constant 64 : i32
    %add3A_121 = arith.addi %mul3A_2, %add3A_120 : i32
    "tpu.region"() ({
      %run_scoped3A = tpu.sem_alloc : memref<!tpu.dma_semaphore, #tpu.memory_space<semaphore_mem>>
      %dma_start3A_138 = arith.constant 0 : i32
      %dma_start3A_139 = tpu.memref_slice %arg4[%add3A_121, %dma_start3A_138] : memref<4096x1024xf32, #tpu.memory_space<hbm>> -> memref<32x1024xf32, #tpu.memory_space<hbm>>
      %dma_start3A_140 = arith.constant 0 : i32
      %dma_start3A_141 = tpu.memref_slice %arg4[%add3A_121, %dma_start3A_140] : memref<4096x1024xf32, #tpu.memory_space<hbm>> -> memref<32x1024xf32, #tpu.memory_space<hbm>>
      tpu.enqueue_dma source(%arg7 : memref<32x1024xf32, #tpu.memory_space<vmem>>) target(%dma_start3A_141 : memref<32x1024xf32, #tpu.memory_space<hbm>>) target_semaphore(%run_scoped3A : memref<!tpu.dma_semaphore, #tpu.memory_space<semaphore_mem>>)
      %dma_wait3A_142 = arith.constant 0 : i32
      %dma_wait3A_143 = tpu.memref_slice %arg4[%add3A_121, %dma_wait3A_142] : memref<4096x1024xf32, #tpu.memory_space<hbm>> -> memref<32x1024xf32, #tpu.memory_space<hbm>>
      %dma_wait3A_144 = arith.constant 0 : i32
      %dma_wait3A_145 = tpu.memref_slice %arg4[%add3A_121, %dma_wait3A_144] : memref<4096x1024xf32, #tpu.memory_space<hbm>> -> memref<32x1024xf32, #tpu.memory_space<hbm>>
      tpu.wait_dma2 semaphore(%run_scoped3A : memref<!tpu.dma_semaphore, #tpu.memory_space<semaphore_mem>>) src(%arg7 : memref<32x1024xf32, #tpu.memory_space<vmem>>) dst(%dma_wait3A_145 : memref<32x1024xf32, #tpu.memory_space<hbm>>)
      tpu.yield
    }) : () -> ()
    %dma_start3A_122 = arith.constant 3 : i32
    %dma_start3A_123 = arith.constant 0 : i32
    %dma_start3A_124 = tpu.memref_slice %arg6[%dma_start3A_122, %dma_start3A_123] : memref<4x32xi32, #tpu.memory_space<vmem>> -> memref<1x32xi32, #tpu.memory_space<vmem>>
    %dma_start3A_125 = tpu.memref_squeeze %dma_start3A_124 : memref<1x32xi32, #tpu.memory_space<vmem>> -> memref<32xi32, #tpu.memory_space<vmem>>
    %dma_start3A_126 = arith.constant 0 : i32
    %dma_start3A_127 = arith.constant 0 : i32
    %dma_start3A_128 = tpu.memref_slice %arg2[%dma_start3A_126, %dma_start3A_127] : memref<4096x1024xf32, #tpu.memory_space<hbm>> -> memref<4096x1024xf32, #tpu.memory_space<hbm>>
    tpu.enqueue_indirect_dma source(%dma_start3A_128 : memref<4096x1024xf32, #tpu.memory_space<hbm>>) target(%arg7 : memref<32x1024xf32, #tpu.memory_space<vmem>>) offsets(%dma_start3A_125 : memref<32xi32, #tpu.memory_space<vmem>>) semaphore(%arg9 : memref<!tpu.dma_semaphore, #tpu.memory_space<semaphore_mem>>)
    %dma_wait3A_129 = arith.constant 3 : i32
    %dma_wait3A_130 = arith.constant 0 : i32
    %dma_wait3A_131 = tpu.memref_slice %arg6[%dma_wait3A_129, %dma_wait3A_130] : memref<4x32xi32, #tpu.memory_space<vmem>> -> memref<1x32xi32, #tpu.memory_space<vmem>>
    %dma_wait3A_132 = tpu.memref_squeeze %dma_wait3A_131 : memref<1x32xi32, #tpu.memory_space<vmem>> -> memref<32xi32, #tpu.memory_space<vmem>>
    %dma_wait3A_133 = arith.constant 0 : i32
    %dma_wait3A_134 = arith.constant 0 : i32
    %dma_wait3A_135 = tpu.memref_slice %arg2[%dma_wait3A_133, %dma_wait3A_134] : memref<4096x1024xf32, #tpu.memory_space<hbm>> -> memref<4096x1024xf32, #tpu.memory_space<hbm>>
    tpu.wait_indirect_dma semaphore(%arg9 : memref<!tpu.dma_semaphore, #tpu.memory_space<semaphore_mem>>) src(%dma_wait3A_135 : memref<4096x1024xf32, #tpu.memory_space<hbm>>) dst(%arg7 : memref<32x1024xf32, #tpu.memory_space<vmem>>)
    %add3A_136 = arith.constant 96 : i32
    %add3A_137 = arith.addi %mul3A_2, %add3A_136 : i32
    "tpu.region"() ({
      %run_scoped3A = tpu.sem_alloc : memref<!tpu.dma_semaphore, #tpu.memory_space<semaphore_mem>>
      %dma_start3A_138 = arith.constant 0 : i32
      %dma_start3A_139 = tpu.memref_slice %arg4[%add3A_137, %dma_start3A_138] : memref<4096x1024xf32, #tpu.memory_space<hbm>> -> memref<32x1024xf32, #tpu.memory_space<hbm>>
      %dma_start3A_140 = arith.constant 0 : i32
      %dma_start3A_141 = tpu.memref_slice %arg4[%add3A_137, %dma_start3A_140] : memref<4096x1024xf32, #tpu.memory_space<hbm>> -> memref<32x1024xf32, #tpu.memory_space<hbm>>
      tpu.enqueue_dma source(%arg7 : memref<32x1024xf32, #tpu.memory_space<vmem>>) target(%dma_start3A_141 : memref<32x1024xf32, #tpu.memory_space<hbm>>) target_semaphore(%run_scoped3A : memref<!tpu.dma_semaphore, #tpu.memory_space<semaphore_mem>>)
      %dma_wait3A_142 = arith.constant 0 : i32
      %dma_wait3A_143 = tpu.memref_slice %arg4[%add3A_137, %dma_wait3A_142] : memref<4096x1024xf32, #tpu.memory_space<hbm>> -> memref<32x1024xf32, #tpu.memory_space<hbm>>
      %dma_wait3A_144 = arith.constant 0 : i32
      %dma_wait3A_145 = tpu.memref_slice %arg4[%add3A_137, %dma_wait3A_144] : memref<4096x1024xf32, #tpu.memory_space<hbm>> -> memref<32x1024xf32, #tpu.memory_space<hbm>>
      tpu.wait_dma2 semaphore(%run_scoped3A : memref<!tpu.dma_semaphore, #tpu.memory_space<semaphore_mem>>) src(%arg7 : memref<32x1024xf32, #tpu.memory_space<vmem>>) dst(%dma_wait3A_145 : memref<32x1024xf32, #tpu.memory_space<hbm>>)
      tpu.yield
    }) : () -> ()
    return
  }
}

#map = affine_map<(d0, d1) -> (0, 0)>
module attributes {stable_mosaic.version = 14 : i64} {
  func.func @sc_dispatch(%arg0: i32, %arg1: i32, %arg2: memref<4096x1024xf32, #tpu.memory_space<hbm>>, %arg3: memref<32x128xi32, #tpu.memory_space<hbm>>, %arg4: memref<4096x1024xf32, #tpu.memory_space<hbm>>, %arg5: memref<128xi32, #tpu.memory_space<vmem>>, %arg6: memref<4x32xi32, #tpu.memory_space<vmem>>, %arg7: memref<32x1024xf32, #tpu.memory_space<vmem>>, %arg8: memref<32x1024xf32, #tpu.memory_space<vmem>>, %arg9: memref<!tpu.dma_semaphore, #tpu.memory_space<semaphore_mem>>, %arg10: memref<!tpu.dma_semaphore, #tpu.memory_space<semaphore_mem>>, %arg11: memref<!tpu.dma_semaphore, #tpu.memory_space<semaphore_mem>>, %arg12: memref<!tpu.dma_semaphore, #tpu.memory_space<semaphore_mem>>) attributes {dimension_semantics = [#tpu.dimension_semantics<core_parallel>, #tpu.dimension_semantics<subcore_parallel>], iteration_bounds = array<i64: 2, 16>, scalar_prefetch = 0 : i64, scratch_operands = 8 : i64, tpu.core_type = #tpu.core_type<sc_vector_subcore>, window_params = [{transform_indices = #map}, {transform_indices = #map}, {transform_indices = #map}]} {
    %mul3A = arith.constant 2 : i32
    %mul3A_0 = arith.muli %arg1, %mul3A : i32
    %add3A = arith.addi %mul3A_0, %arg0 : i32
    %mul3A_1 = arith.constant 128 : i32
    %mul3A_2 = arith.muli %add3A, %mul3A_1 : i32
    %mul3A_3 = arith.constant 2 : i32
    %mul3A_4 = arith.muli %arg1, %mul3A_3 : i32
    %add3A_5 = arith.addi %mul3A_4, %arg0 : i32
    "tpu.region"() ({
      %run_scoped3A = tpu.sem_alloc : memref<!tpu.dma_semaphore, #tpu.memory_space<semaphore_mem>>
      %dma_start3A_170 = arith.constant 0 : i32
      %dma_start3A_171 = tpu.memref_slice %arg3[%add3A_5, %dma_start3A_170] : memref<32x128xi32, #tpu.memory_space<hbm>> -> memref<1x128xi32, #tpu.memory_space<hbm>>
      %dma_start3A_172 = tpu.memref_squeeze %dma_start3A_171 : memref<1x128xi32, #tpu.memory_space<hbm>> -> memref<128xi32, #tpu.memory_space<hbm>>
      %dma_start3A_173 = arith.constant 0 : i32
      %dma_start3A_174 = tpu.memref_slice %arg3[%add3A_5, %dma_start3A_173] : memref<32x128xi32, #tpu.memory_space<hbm>> -> memref<1x128xi32, #tpu.memory_space<hbm>>
      %dma_start3A_175 = tpu.memref_squeeze %dma_start3A_174 : memref<1x128xi32, #tpu.memory_space<hbm>> -> memref<128xi32, #tpu.memory_space<hbm>>
      tpu.enqueue_dma source(%dma_start3A_175 : memref<128xi32, #tpu.memory_space<hbm>>) target(%arg5 : memref<128xi32, #tpu.memory_space<vmem>>) target_semaphore(%run_scoped3A : memref<!tpu.dma_semaphore, #tpu.memory_space<semaphore_mem>>)
      %dma_wait3A_176 = arith.constant 0 : i32
      %dma_wait3A_177 = tpu.memref_slice %arg3[%add3A_5, %dma_wait3A_176] : memref<32x128xi32, #tpu.memory_space<hbm>> -> memref<1x128xi32, #tpu.memory_space<hbm>>
      %dma_wait3A_178 = tpu.memref_squeeze %dma_wait3A_177 : memref<1x128xi32, #tpu.memory_space<hbm>> -> memref<128xi32, #tpu.memory_space<hbm>>
      %dma_wait3A_179 = arith.constant 0 : i32
      %dma_wait3A_180 = tpu.memref_slice %arg3[%add3A_5, %dma_wait3A_179] : memref<32x128xi32, #tpu.memory_space<hbm>> -> memref<1x128xi32, #tpu.memory_space<hbm>>
      %dma_wait3A_181 = tpu.memref_squeeze %dma_wait3A_180 : memref<1x128xi32, #tpu.memory_space<hbm>> -> memref<128xi32, #tpu.memory_space<hbm>>
      tpu.wait_dma2 semaphore(%run_scoped3A : memref<!tpu.dma_semaphore, #tpu.memory_space<semaphore_mem>>) src(%dma_wait3A_181 : memref<128xi32, #tpu.memory_space<hbm>>) dst(%arg5 : memref<128xi32, #tpu.memory_space<vmem>>)
      tpu.yield
    }) : () -> ()
    %get3A = arith.constant 0 : index
    %get3A_6 = tpu.vector_load %arg5[%get3A] {strides = array<i32>} : memref<128xi32, #tpu.memory_space<vmem>>, vector<16xi32>,
    %get3A_7 = vector.shape_cast %get3A_6 : vector<16xi32> to vector<16xi32>
    %swap3A = arith.constant 0 : i32
    %swap3A_8 = arith.index_cast %swap3A : i32 to index
    %swap3A_9 = arith.constant 0 : index
    %swap3A_10 = tpu.vector_load %arg6[%swap3A_8, %swap3A_9] {strides = array<i32>} : memref<4x32xi32, #tpu.memory_space<vmem>>, vector<1x16xi32>,
    %swap3A_11 = vector.shape_cast %swap3A_10 : vector<1x16xi32> to vector<16xi32>
    %swap3A_12 = vector.shape_cast %get3A_7 : vector<16xi32> to vector<1x16xi32>
    tpu.vector_store %arg6[%swap3A_8, %swap3A_9], %swap3A_12 {strides = array<i32>} : memref<4x32xi32, #tpu.memory_space<vmem>>, vector<1x16xi32>,
    %get3A_13 = arith.constant 16 : index
    %get3A_14 = tpu.vector_load %arg5[%get3A_13] {strides = array<i32>} : memref<128xi32, #tpu.memory_space<vmem>>, vector<16xi32>,
    %get3A_15 = vector.shape_cast %get3A_14 : vector<16xi32> to vector<16xi32>
    %swap3A_16 = arith.constant 0 : i32
    %swap3A_17 = arith.index_cast %swap3A_16 : i32 to index
    %swap3A_18 = arith.constant 16 : index
    %swap3A_19 = tpu.vector_load %arg6[%swap3A_17, %swap3A_18] {strides = array<i32>} : memref<4x32xi32, #tpu.memory_space<vmem>>, vector<1x16xi32>,
    %swap3A_20 = vector.shape_cast %swap3A_19 : vector<1x16xi32> to vector<16xi32>
    %swap3A_21 = vector.shape_cast %get3A_15 : vector<16xi32> to vector<1x16xi32>
    tpu.vector_store %arg6[%swap3A_17, %swap3A_18], %swap3A_21 {strides = array<i32>} : memref<4x32xi32, #tpu.memory_space<vmem>>, vector<1x16xi32>,
    %get3A_22 = arith.constant 32 : index
    %get3A_23 = tpu.vector_load %arg5[%get3A_22] {strides = array<i32>} : memref<128xi32, #tpu.memory_space<vmem>>, vector<16xi32>,
    %get3A_24 = vector.shape_cast %get3A_23 : vector<16xi32> to vector<16xi32>
    %swap3A_25 = arith.constant 1 : i32
    %swap3A_26 = arith.index_cast %swap3A_25 : i32 to index
    %swap3A_27 = arith.constant 0 : index
    %swap3A_28 = tpu.vector_load %arg6[%swap3A_26, %swap3A_27] {strides = array<i32>} : memref<4x32xi32, #tpu.memory_space<vmem>>, vector<1x16xi32>,
    %swap3A_29 = vector.shape_cast %swap3A_28 : vector<1x16xi32> to vector<16xi32>
    %swap3A_30 = vector.shape_cast %get3A_24 : vector<16xi32> to vector<1x16xi32>
    tpu.vector_store %arg6[%swap3A_26, %swap3A_27], %swap3A_30 {strides = array<i32>} : memref<4x32xi32, #tpu.memory_space<vmem>>, vector<1x16xi32>,
    %get3A_31 = arith.constant 48 : index
    %get3A_32 = tpu.vector_load %arg5[%get3A_31] {strides = array<i32>} : memref<128xi32, #tpu.memory_space<vmem>>, vector<16xi32>,
    %get3A_33 = vector.shape_cast %get3A_32 : vector<16xi32> to vector<16xi32>
    %swap3A_34 = arith.constant 1 : i32
    %swap3A_35 = arith.index_cast %swap3A_34 : i32 to index
    %swap3A_36 = arith.constant 16 : index
    %swap3A_37 = tpu.vector_load %arg6[%swap3A_35, %swap3A_36] {strides = array<i32>} : memref<4x32xi32, #tpu.memory_space<vmem>>, vector<1x16xi32>,
    %swap3A_38 = vector.shape_cast %swap3A_37 : vector<1x16xi32> to vector<16xi32>
    %swap3A_39 = vector.shape_cast %get3A_33 : vector<16xi32> to vector<1x16xi32>
    tpu.vector_store %arg6[%swap3A_35, %swap3A_36], %swap3A_39 {strides = array<i32>} : memref<4x32xi32, #tpu.memory_space<vmem>>, vector<1x16xi32>,
    %get3A_40 = arith.constant 64 : index
    %get3A_41 = tpu.vector_load %arg5[%get3A_40] {strides = array<i32>} : memref<128xi32, #tpu.memory_space<vmem>>, vector<16xi32>,
    %get3A_42 = vector.shape_cast %get3A_41 : vector<16xi32> to vector<16xi32>
    %swap3A_43 = arith.constant 2 : i32
    %swap3A_44 = arith.index_cast %swap3A_43 : i32 to index
    %swap3A_45 = arith.constant 0 : index
    %swap3A_46 = tpu.vector_load %arg6[%swap3A_44, %swap3A_45] {strides = array<i32>} : memref<4x32xi32, #tpu.memory_space<vmem>>, vector<1x16xi32>,
    %swap3A_47 = vector.shape_cast %swap3A_46 : vector<1x16xi32> to vector<16xi32>
    %swap3A_48 = vector.shape_cast %get3A_42 : vector<16xi32> to vector<1x16xi32>
    tpu.vector_store %arg6[%swap3A_44, %swap3A_45], %swap3A_48 {strides = array<i32>} : memref<4x32xi32, #tpu.memory_space<vmem>>, vector<1x16xi32>,
    %get3A_49 = arith.constant 80 : index
    %get3A_50 = tpu.vector_load %arg5[%get3A_49] {strides = array<i32>} : memref<128xi32, #tpu.memory_space<vmem>>, vector<16xi32>,
    %get3A_51 = vector.shape_cast %get3A_50 : vector<16xi32> to vector<16xi32>
    %swap3A_52 = arith.constant 2 : i32
    %swap3A_53 = arith.index_cast %swap3A_52 : i32 to index
    %swap3A_54 = arith.constant 16 : index
    %swap3A_55 = tpu.vector_load %arg6[%swap3A_53, %swap3A_54] {strides = array<i32>} : memref<4x32xi32, #tpu.memory_space<vmem>>, vector<1x16xi32>,
    %swap3A_56 = vector.shape_cast %swap3A_55 : vector<1x16xi32> to vector<16xi32>
    %swap3A_57 = vector.shape_cast %get3A_51 : vector<16xi32> to vector<1x16xi32>
    tpu.vector_store %arg6[%swap3A_53, %swap3A_54], %swap3A_57 {strides = array<i32>} : memref<4x32xi32, #tpu.memory_space<vmem>>, vector<1x16xi32>,
    %get3A_58 = arith.constant 96 : index
    %get3A_59 = tpu.vector_load %arg5[%get3A_58] {strides = array<i32>} : memref<128xi32, #tpu.memory_space<vmem>>, vector<16xi32>,
    %get3A_60 = vector.shape_cast %get3A_59 : vector<16xi32> to vector<16xi32>
    %swap3A_61 = arith.constant 3 : i32
    %swap3A_62 = arith.index_cast %swap3A_61 : i32 to index
    %swap3A_63 = arith.constant 0 : index
    %swap3A_64 = tpu.vector_load %arg6[%swap3A_62, %swap3A_63] {strides = array<i32>} : memref<4x32xi32, #tpu.memory_space<vmem>>, vector<1x16xi32>,
    %swap3A_65 = vector.shape_cast %swap3A_64 : vector<1x16xi32> to vector<16xi32>
    %swap3A_66 = vector.shape_cast %get3A_60 : vector<16xi32> to vector<1x16xi32>
    tpu.vector_store %arg6[%swap3A_62, %swap3A_63], %swap3A_66 {strides = array<i32>} : memref<4x32xi32, #tpu.memory_space<vmem>>, vector<1x16xi32>,
    %get3A_67 = arith.constant 112 : index
    %get3A_68 = tpu.vector_load %arg5[%get3A_67] {strides = array<i32>} : memref<128xi32, #tpu.memory_space<vmem>>, vector<16xi32>,
    %get3A_69 = vector.shape_cast %get3A_68 : vector<16xi32> to vector<16xi32>
    %swap3A_70 = arith.constant 3 : i32
    %swap3A_71 = arith.index_cast %swap3A_70 : i32 to index
    %swap3A_72 = arith.constant 16 : index
    %swap3A_73 = tpu.vector_load %arg6[%swap3A_71, %swap3A_72] {strides = array<i32>} : memref<4x32xi32, #tpu.memory_space<vmem>>, vector<1x16xi32>,
    %swap3A_74 = vector.shape_cast %swap3A_73 : vector<1x16xi32> to vector<16xi32>
    %swap3A_75 = vector.shape_cast %get3A_69 : vector<16xi32> to vector<1x16xi32>
    tpu.vector_store %arg6[%swap3A_71, %swap3A_72], %swap3A_75 {strides = array<i32>} : memref<4x32xi32, #tpu.memory_space<vmem>>, vector<1x16xi32>,
    %add3A_76 = arith.constant 0 : i32
    %add3A_77 = arith.addi %mul3A_2, %add3A_76 : i32
    %dma_start3A = arith.constant 0 : i32
    %dma_start3A_78 = tpu.memref_slice %arg2[%add3A_77, %dma_start3A] : memref<4096x1024xf32, #tpu.memory_space<hbm>> -> memref<32x1024xf32, #tpu.memory_space<hbm>>
    %dma_start3A_79 = arith.constant 0 : i32
    %dma_start3A_80 = tpu.memref_slice %arg2[%add3A_77, %dma_start3A_79] : memref<4096x1024xf32, #tpu.memory_space<hbm>> -> memref<32x1024xf32, #tpu.memory_space<hbm>>
    tpu.enqueue_dma source(%dma_start3A_80 : memref<32x1024xf32, #tpu.memory_space<hbm>>) target(%arg7 : memref<32x1024xf32, #tpu.memory_space<vmem>>) target_semaphore(%arg9 : memref<!tpu.dma_semaphore, #tpu.memory_space<semaphore_mem>>)
    %add3A_81 = arith.constant 32 : i32
    %add3A_82 = arith.addi %mul3A_2, %add3A_81 : i32
    %dma_start3A_83 = arith.constant 0 : i32
    %dma_start3A_84 = tpu.memref_slice %arg2[%add3A_82, %dma_start3A_83] : memref<4096x1024xf32, #tpu.memory_space<hbm>> -> memref<32x1024xf32, #tpu.memory_space<hbm>>
    %dma_start3A_85 = arith.constant 0 : i32
    %dma_start3A_86 = tpu.memref_slice %arg2[%add3A_82, %dma_start3A_85] : memref<4096x1024xf32, #tpu.memory_space<hbm>> -> memref<32x1024xf32, #tpu.memory_space<hbm>>
    tpu.enqueue_dma source(%dma_start3A_86 : memref<32x1024xf32, #tpu.memory_space<hbm>>) target(%arg8 : memref<32x1024xf32, #tpu.memory_space<vmem>>) target_semaphore(%arg10 : memref<!tpu.dma_semaphore, #tpu.memory_space<semaphore_mem>>)
    %dma_wait3A = arith.constant 0 : i32
    %dma_wait3A_87 = tpu.memref_slice %arg2[%add3A_77, %dma_wait3A] : memref<4096x1024xf32, #tpu.memory_space<hbm>> -> memref<32x1024xf32, #tpu.memory_space<hbm>>
    %dma_wait3A_88 = arith.constant 0 : i32
    %dma_wait3A_89 = tpu.memref_slice %arg2[%add3A_77, %dma_wait3A_88] : memref<4096x1024xf32, #tpu.memory_space<hbm>> -> memref<32x1024xf32, #tpu.memory_space<hbm>>
    tpu.wait_dma2 semaphore(%arg9 : memref<!tpu.dma_semaphore, #tpu.memory_space<semaphore_mem>>) src(%dma_wait3A_89 : memref<32x1024xf32, #tpu.memory_space<hbm>>) dst(%arg7 : memref<32x1024xf32, #tpu.memory_space<vmem>>)
    %dma_start3A_90 = arith.constant 0 : i32
    %dma_start3A_91 = arith.constant 0 : i32
    %dma_start3A_92 = tpu.memref_slice %arg6[%dma_start3A_90, %dma_start3A_91] : memref<4x32xi32, #tpu.memory_space<vmem>> -> memref<1x32xi32, #tpu.memory_space<vmem>>
    %dma_start3A_93 = tpu.memref_squeeze %dma_start3A_92 : memref<1x32xi32, #tpu.memory_space<vmem>> -> memref<32xi32, #tpu.memory_space<vmem>>
    %dma_start3A_94 = arith.constant 0 : i32
    %dma_start3A_95 = arith.constant 0 : i32
    %dma_start3A_96 = tpu.memref_slice %arg4[%dma_start3A_94, %dma_start3A_95] : memref<4096x1024xf32, #tpu.memory_space<hbm>> -> memref<4096x1024xf32, #tpu.memory_space<hbm>>
    tpu.enqueue_indirect_dma source(%arg7 : memref<32x1024xf32, #tpu.memory_space<vmem>>) target(%dma_start3A_96 : memref<4096x1024xf32, #tpu.memory_space<hbm>>) offsets(%dma_start3A_93 : memref<32xi32, #tpu.memory_space<vmem>>) semaphore(%arg11 : memref<!tpu.dma_semaphore, #tpu.memory_space<semaphore_mem>>)
    %dma_wait3A_97 = arith.constant 0 : i32
    %dma_wait3A_98 = arith.constant 0 : i32
    %dma_wait3A_99 = tpu.memref_slice %arg6[%dma_wait3A_97, %dma_wait3A_98] : memref<4x32xi32, #tpu.memory_space<vmem>> -> memref<1x32xi32, #tpu.memory_space<vmem>>
    %dma_wait3A_100 = tpu.memref_squeeze %dma_wait3A_99 : memref<1x32xi32, #tpu.memory_space<vmem>> -> memref<32xi32, #tpu.memory_space<vmem>>
    %dma_wait3A_101 = arith.constant 0 : i32
    %dma_wait3A_102 = arith.constant 0 : i32
    %dma_wait3A_103 = tpu.memref_slice %arg4[%dma_wait3A_101, %dma_wait3A_102] : memref<4096x1024xf32, #tpu.memory_space<hbm>> -> memref<4096x1024xf32, #tpu.memory_space<hbm>>
    tpu.wait_indirect_dma semaphore(%arg11 : memref<!tpu.dma_semaphore, #tpu.memory_space<semaphore_mem>>) src(%arg7 : memref<32x1024xf32, #tpu.memory_space<vmem>>) dst(%dma_wait3A_103 : memref<4096x1024xf32, #tpu.memory_space<hbm>>)
    %add3A_104 = arith.constant 64 : i32
    %add3A_105 = arith.addi %mul3A_2, %add3A_104 : i32
    %dma_start3A_106 = arith.constant 0 : i32
    %dma_start3A_107 = tpu.memref_slice %arg2[%add3A_105, %dma_start3A_106] : memref<4096x1024xf32, #tpu.memory_space<hbm>> -> memref<32x1024xf32, #tpu.memory_space<hbm>>
    %dma_start3A_108 = arith.constant 0 : i32
    %dma_start3A_109 = tpu.memref_slice %arg2[%add3A_105, %dma_start3A_108] : memref<4096x1024xf32, #tpu.memory_space<hbm>> -> memref<32x1024xf32, #tpu.memory_space<hbm>>
    tpu.enqueue_dma source(%dma_start3A_109 : memref<32x1024xf32, #tpu.memory_space<hbm>>) target(%arg7 : memref<32x1024xf32, #tpu.memory_space<vmem>>) target_semaphore(%arg9 : memref<!tpu.dma_semaphore, #tpu.memory_space<semaphore_mem>>)
    %dma_wait3A_110 = arith.constant 0 : i32
    %dma_wait3A_111 = tpu.memref_slice %arg2[%add3A_82, %dma_wait3A_110] : memref<4096x1024xf32, #tpu.memory_space<hbm>> -> memref<32x1024xf32, #tpu.memory_space<hbm>>
    %dma_wait3A_112 = arith.constant 0 : i32
    %dma_wait3A_113 = tpu.memref_slice %arg2[%add3A_82, %dma_wait3A_112] : memref<4096x1024xf32, #tpu.memory_space<hbm>> -> memref<32x1024xf32, #tpu.memory_space<hbm>>
    tpu.wait_dma2 semaphore(%arg10 : memref<!tpu.dma_semaphore, #tpu.memory_space<semaphore_mem>>) src(%dma_wait3A_113 : memref<32x1024xf32, #tpu.memory_space<hbm>>) dst(%arg8 : memref<32x1024xf32, #tpu.memory_space<vmem>>)
    %dma_start3A_114 = arith.constant 1 : i32
    %dma_start3A_115 = arith.constant 0 : i32
    %dma_start3A_116 = tpu.memref_slice %arg6[%dma_start3A_114, %dma_start3A_115] : memref<4x32xi32, #tpu.memory_space<vmem>> -> memref<1x32xi32, #tpu.memory_space<vmem>>
    %dma_start3A_117 = tpu.memref_squeeze %dma_start3A_116 : memref<1x32xi32, #tpu.memory_space<vmem>> -> memref<32xi32, #tpu.memory_space<vmem>>
    %dma_start3A_118 = arith.constant 0 : i32
    %dma_start3A_119 = arith.constant 0 : i32
    %dma_start3A_120 = tpu.memref_slice %arg4[%dma_start3A_118, %dma_start3A_119] : memref<4096x1024xf32, #tpu.memory_space<hbm>> -> memref<4096x1024xf32, #tpu.memory_space<hbm>>
    tpu.enqueue_indirect_dma source(%arg8 : memref<32x1024xf32, #tpu.memory_space<vmem>>) target(%dma_start3A_120 : memref<4096x1024xf32, #tpu.memory_space<hbm>>) offsets(%dma_start3A_117 : memref<32xi32, #tpu.memory_space<vmem>>) semaphore(%arg12 : memref<!tpu.dma_semaphore, #tpu.memory_space<semaphore_mem>>)
    %dma_wait3A_121 = arith.constant 1 : i32
    %dma_wait3A_122 = arith.constant 0 : i32
    %dma_wait3A_123 = tpu.memref_slice %arg6[%dma_wait3A_121, %dma_wait3A_122] : memref<4x32xi32, #tpu.memory_space<vmem>> -> memref<1x32xi32, #tpu.memory_space<vmem>>
    %dma_wait3A_124 = tpu.memref_squeeze %dma_wait3A_123 : memref<1x32xi32, #tpu.memory_space<vmem>> -> memref<32xi32, #tpu.memory_space<vmem>>
    %dma_wait3A_125 = arith.constant 0 : i32
    %dma_wait3A_126 = arith.constant 0 : i32
    %dma_wait3A_127 = tpu.memref_slice %arg4[%dma_wait3A_125, %dma_wait3A_126] : memref<4096x1024xf32, #tpu.memory_space<hbm>> -> memref<4096x1024xf32, #tpu.memory_space<hbm>>
    tpu.wait_indirect_dma semaphore(%arg12 : memref<!tpu.dma_semaphore, #tpu.memory_space<semaphore_mem>>) src(%arg8 : memref<32x1024xf32, #tpu.memory_space<vmem>>) dst(%dma_wait3A_127 : memref<4096x1024xf32, #tpu.memory_space<hbm>>)
    %add3A_128 = arith.constant 96 : i32
    %add3A_129 = arith.addi %mul3A_2, %add3A_128 : i32
    %dma_start3A_130 = arith.constant 0 : i32
    %dma_start3A_131 = tpu.memref_slice %arg2[%add3A_129, %dma_start3A_130] : memref<4096x1024xf32, #tpu.memory_space<hbm>> -> memref<32x1024xf32, #tpu.memory_space<hbm>>
    %dma_start3A_132 = arith.constant 0 : i32
    %dma_start3A_133 = tpu.memref_slice %arg2[%add3A_129, %dma_start3A_132] : memref<4096x1024xf32, #tpu.memory_space<hbm>> -> memref<32x1024xf32, #tpu.memory_space<hbm>>
    tpu.enqueue_dma source(%dma_start3A_133 : memref<32x1024xf32, #tpu.memory_space<hbm>>) target(%arg8 : memref<32x1024xf32, #tpu.memory_space<vmem>>) target_semaphore(%arg10 : memref<!tpu.dma_semaphore, #tpu.memory_space<semaphore_mem>>)
    %dma_wait3A_134 = arith.constant 0 : i32
    %dma_wait3A_135 = tpu.memref_slice %arg2[%add3A_105, %dma_wait3A_134] : memref<4096x1024xf32, #tpu.memory_space<hbm>> -> memref<32x1024xf32, #tpu.memory_space<hbm>>
    %dma_wait3A_136 = arith.constant 0 : i32
    %dma_wait3A_137 = tpu.memref_slice %arg2[%add3A_105, %dma_wait3A_136] : memref<4096x1024xf32, #tpu.memory_space<hbm>> -> memref<32x1024xf32, #tpu.memory_space<hbm>>
    tpu.wait_dma2 semaphore(%arg9 : memref<!tpu.dma_semaphore, #tpu.memory_space<semaphore_mem>>) src(%dma_wait3A_137 : memref<32x1024xf32, #tpu.memory_space<hbm>>) dst(%arg7 : memref<32x1024xf32, #tpu.memory_space<vmem>>)
    %dma_start3A_138 = arith.constant 2 : i32
    %dma_start3A_139 = arith.constant 0 : i32
    %dma_start3A_140 = tpu.memref_slice %arg6[%dma_start3A_138, %dma_start3A_139] : memref<4x32xi32, #tpu.memory_space<vmem>> -> memref<1x32xi32, #tpu.memory_space<vmem>>
    %dma_start3A_141 = tpu.memref_squeeze %dma_start3A_140 : memref<1x32xi32, #tpu.memory_space<vmem>> -> memref<32xi32, #tpu.memory_space<vmem>>
    %dma_start3A_142 = arith.constant 0 : i32
    %dma_start3A_143 = arith.constant 0 : i32
    %dma_start3A_144 = tpu.memref_slice %arg4[%dma_start3A_142, %dma_start3A_143] : memref<4096x1024xf32, #tpu.memory_space<hbm>> -> memref<4096x1024xf32, #tpu.memory_space<hbm>>
    tpu.enqueue_indirect_dma source(%arg7 : memref<32x1024xf32, #tpu.memory_space<vmem>>) target(%dma_start3A_144 : memref<4096x1024xf32, #tpu.memory_space<hbm>>) offsets(%dma_start3A_141 : memref<32xi32, #tpu.memory_space<vmem>>) semaphore(%arg11 : memref<!tpu.dma_semaphore, #tpu.memory_space<semaphore_mem>>)
    %dma_wait3A_145 = arith.constant 0 : i32
    %dma_wait3A_146 = tpu.memref_slice %arg2[%add3A_129, %dma_wait3A_145] : memref<4096x1024xf32, #tpu.memory_space<hbm>> -> memref<32x1024xf32, #tpu.memory_space<hbm>>
    %dma_wait3A_147 = arith.constant 0 : i32
    %dma_wait3A_148 = tpu.memref_slice %arg2[%add3A_129, %dma_wait3A_147] : memref<4096x1024xf32, #tpu.memory_space<hbm>> -> memref<32x1024xf32, #tpu.memory_space<hbm>>
    tpu.wait_dma2 semaphore(%arg10 : memref<!tpu.dma_semaphore, #tpu.memory_space<semaphore_mem>>) src(%dma_wait3A_148 : memref<32x1024xf32, #tpu.memory_space<hbm>>) dst(%arg8 : memref<32x1024xf32, #tpu.memory_space<vmem>>)
    %dma_start3A_149 = arith.constant 3 : i32
    %dma_start3A_150 = arith.constant 0 : i32
    %dma_start3A_151 = tpu.memref_slice %arg6[%dma_start3A_149, %dma_start3A_150] : memref<4x32xi32, #tpu.memory_space<vmem>> -> memref<1x32xi32, #tpu.memory_space<vmem>>
    %dma_start3A_152 = tpu.memref_squeeze %dma_start3A_151 : memref<1x32xi32, #tpu.memory_space<vmem>> -> memref<32xi32, #tpu.memory_space<vmem>>
    %dma_start3A_153 = arith.constant 0 : i32
    %dma_start3A_154 = arith.constant 0 : i32
    %dma_start3A_155 = tpu.memref_slice %arg4[%dma_start3A_153, %dma_start3A_154] : memref<4096x1024xf32, #tpu.memory_space<hbm>> -> memref<4096x1024xf32, #tpu.memory_space<hbm>>
    tpu.enqueue_indirect_dma source(%arg8 : memref<32x1024xf32, #tpu.memory_space<vmem>>) target(%dma_start3A_155 : memref<4096x1024xf32, #tpu.memory_space<hbm>>) offsets(%dma_start3A_152 : memref<32xi32, #tpu.memory_space<vmem>>) semaphore(%arg12 : memref<!tpu.dma_semaphore, #tpu.memory_space<semaphore_mem>>)
    %dma_wait3A_156 = arith.constant 2 : i32
    %dma_wait3A_157 = arith.constant 0 : i32
    %dma_wait3A_158 = tpu.memref_slice %arg6[%dma_wait3A_156, %dma_wait3A_157] : memref<4x32xi32, #tpu.memory_space<vmem>> -> memref<1x32xi32, #tpu.memory_space<vmem>>
    %dma_wait3A_159 = tpu.memref_squeeze %dma_wait3A_158 : memref<1x32xi32, #tpu.memory_space<vmem>> -> memref<32xi32, #tpu.memory_space<vmem>>
    %dma_wait3A_160 = arith.constant 0 : i32
    %dma_wait3A_161 = arith.constant 0 : i32
    %dma_wait3A_162 = tpu.memref_slice %arg4[%dma_wait3A_160, %dma_wait3A_161] : memref<4096x1024xf32, #tpu.memory_space<hbm>> -> memref<4096x1024xf32, #tpu.memory_space<hbm>>
    tpu.wait_indirect_dma semaphore(%arg11 : memref<!tpu.dma_semaphore, #tpu.memory_space<semaphore_mem>>) src(%arg7 : memref<32x1024xf32, #tpu.memory_space<vmem>>) dst(%dma_wait3A_162 : memref<4096x1024xf32, #tpu.memory_space<hbm>>)
    %dma_wait3A_163 = arith.constant 3 : i32
    %dma_wait3A_164 = arith.constant 0 : i32
    %dma_wait3A_165 = tpu.memref_slice %arg6[%dma_wait3A_163, %dma_wait3A_164] : memref<4x32xi32, #tpu.memory_space<vmem>> -> memref<1x32xi32, #tpu.memory_space<vmem>>
    %dma_wait3A_166 = tpu.memref_squeeze %dma_wait3A_165 : memref<1x32xi32, #tpu.memory_space<vmem>> -> memref<32xi32, #tpu.memory_space<vmem>>
    %dma_wait3A_167 = arith.constant 0 : i32
    %dma_wait3A_168 = arith.constant 0 : i32
    %dma_wait3A_169 = tpu.memref_slice %arg4[%dma_wait3A_167, %dma_wait3A_168] : memref<4096x1024xf32, #tpu.memory_space<hbm>> -> memref<4096x1024xf32, #tpu.memory_space<hbm>>
    tpu.wait_indirect_dma semaphore(%arg12 : memref<!tpu.dma_semaphore, #tpu.memory_space<semaphore_mem>>) src(%arg8 : memref<32x1024xf32, #tpu.memory_space<vmem>>) dst(%dma_wait3A_169 : memref<4096x1024xf32, #tpu.memory_space<hbm>>)
    return
  }
}

module attributes {stable_mosaic.version = 14 : i64} {
  func.func @_reg_body(%arg0: i32, %arg1: memref<1x1024x1024xf32, #tpu.memory_space<vmem>>, %arg2: memref<8x128xf32, #tpu.memory_space<vmem>>, %arg3: memref<1x1xf32, #tpu.memory_space<smem>>, %arg4: memref<1024x1024xf32, #tpu.memory_space<vmem>>, %arg5: memref<1024x1024xf32, #tpu.memory_space<vmem>>) attributes {dimension_semantics = [#tpu.dimension_semantics<arbitrary>], iteration_bounds = array<i64: 8>, scalar_prefetch = 0 : i64, scratch_operands = 2 : i64, tpu.core_type = #tpu.core_type<tc>, window_params = [{transform_indices = @transform_0, window_bounds = array<i64: 1, 1024, 1024>}, {transform_indices = @transform_1, window_bounds = array<i64: 8, 128>}, {transform_indices = @transform_2, window_bounds = array<i64: 1, 1>}]} {
    %get3A = arith.constant 0 : index
    %get3A_0 = arith.constant 0 : index
    %get3A_1 = arith.constant 0 : index
    %get3A_2 = vector.load %arg1[%get3A, %get3A_0, %get3A_1] : memref<1x1024x1024xf32, #tpu.memory_space<vmem>>, vector<1x1024x1024xf32>
    %get3A_3 = vector.shape_cast %get3A_2 : vector<1x1024x1024xf32> to vector<1024x1024xf32>
    %eq3A = arith.constant 0 : i32
    %eq3A_4 = arith.cmpi eq, %arg0, %eq3A : i32
    %convert_element_type3A = arith.extui %eq3A_4 : i1 to i32
    %cond3A = arith.constant 0 : i32
    %cond3A_5 = arith.cmpi ne, %convert_element_type3A, %cond3A : i32
    scf.if %cond3A_5 {
      %swap3A = arith.constant 0 : index
      %swap3A_15 = arith.constant 0 : index
      %swap3A_16 = vector.load %arg4[%swap3A, %swap3A_15] : memref<1024x1024xf32, #tpu.memory_space<vmem>>, vector<1024x1024xf32>
      tpu.vector_store %arg4[%swap3A, %swap3A_15], %get3A_3 {strides = array<i32>} : memref<1024x1024xf32, #tpu.memory_space<vmem>>, vector<1024x1024xf32>,
      %mul3A = arith.mulf %get3A_3, %get3A_3 : vector<1024x1024xf32>
      %swap3A_17 = arith.constant 0 : index
      %swap3A_18 = arith.constant 0 : index
      %swap3A_19 = vector.load %arg5[%swap3A_17, %swap3A_18] : memref<1024x1024xf32, #tpu.memory_space<vmem>>, vector<1024x1024xf32>
      tpu.vector_store %arg5[%swap3A_17, %swap3A_18], %mul3A {strides = array<i32>} : memref<1024x1024xf32, #tpu.memory_space<vmem>>, vector<1024x1024xf32>,
    } else {
    }
    %ne3A = arith.constant 0 : i32
    %ne3A_6 = arith.cmpi ne, %arg0, %ne3A : i32
    %convert_element_type3A_7 = arith.extui %ne3A_6 : i1 to i32
    %cond3A_8 = arith.constant 0 : i32
    %cond3A_9 = arith.cmpi ne, %convert_element_type3A_7, %cond3A_8 : i32
    scf.if %cond3A_9 {
      %get3A_15 = arith.constant 0 : index
      %get3A_16 = arith.constant 0 : index
      %get3A_17 = vector.load %arg4[%get3A_15, %get3A_16] : memref<1024x1024xf32, #tpu.memory_space<vmem>>, vector<1024x1024xf32>
      %add3A = arith.addf %get3A_17, %get3A_3 : vector<1024x1024xf32>
      %swap3A = arith.constant 0 : index
      %swap3A_18 = arith.constant 0 : index
      %swap3A_19 = vector.load %arg4[%swap3A, %swap3A_18] : memref<1024x1024xf32, #tpu.memory_space<vmem>>, vector<1024x1024xf32>
      tpu.vector_store %arg4[%swap3A, %swap3A_18], %add3A {strides = array<i32>} : memref<1024x1024xf32, #tpu.memory_space<vmem>>, vector<1024x1024xf32>,
      %get3A_20 = arith.constant 0 : index
      %get3A_21 = arith.constant 0 : index
      %get3A_22 = vector.load %arg5[%get3A_20, %get3A_21] : memref<1024x1024xf32, #tpu.memory_space<vmem>>, vector<1024x1024xf32>
      %mul3A = arith.mulf %get3A_3, %get3A_3 : vector<1024x1024xf32>
      %add3A_23 = arith.addf %get3A_22, %mul3A : vector<1024x1024xf32>
      %swap3A_24 = arith.constant 0 : index
      %swap3A_25 = arith.constant 0 : index
      %swap3A_26 = vector.load %arg5[%swap3A_24, %swap3A_25] : memref<1024x1024xf32, #tpu.memory_space<vmem>>, vector<1024x1024xf32>
      tpu.vector_store %arg5[%swap3A_24, %swap3A_25], %add3A_23 {strides = array<i32>} : memref<1024x1024xf32, #tpu.memory_space<vmem>>, vector<1024x1024xf32>,
    } else {
    }
    %eq3A_10 = arith.constant 7 : i32
    %eq3A_11 = arith.cmpi eq, %arg0, %eq3A_10 : i32
    %convert_element_type3A_12 = arith.extui %eq3A_11 : i1 to i32
    %cond3A_13 = arith.constant 0 : i32
    %cond3A_14 = arith.cmpi ne, %convert_element_type3A_12, %cond3A_13 : i32
    scf.if %cond3A_14 {
      %get3A_15 = arith.constant 0 : index
      %get3A_16 = arith.constant 0 : index
      %get3A_17 = vector.load %arg4[%get3A_15, %get3A_16] : memref<1024x1024xf32, #tpu.memory_space<vmem>>, vector<1024x1024xf32>
      %mul3A = arith.constant 1.250000e-01 : f32
      %mul3A_18 = vector.broadcast %mul3A : f32 to vector<1024x1024xf32>
      %mul3A_19 = arith.mulf %get3A_17, %mul3A_18 : vector<1024x1024xf32>
      %get3A_20 = arith.constant 0 : index
      %get3A_21 = arith.constant 0 : index
      %get3A_22 = vector.load %arg5[%get3A_20, %get3A_21] : memref<1024x1024xf32, #tpu.memory_space<vmem>>, vector<1024x1024xf32>
      %reduce_sum3A = vector.shape_cast %get3A_22 : vector<1024x1024xf32> to vector<1x1024x1024xf32>
      %reduce_sum3A_23 = arith.constant dense<0.000000e+00> : vector<1xf32>
      %reduce_sum3A_24 = vector.multi_reduction <add>, %reduce_sum3A, %reduce_sum3A_23 [1, 2] : vector<1x1024x1024xf32> to vector<1xf32>
      %reduce_sum3A_25 = vector.shape_cast %reduce_sum3A_24 : vector<1xf32> to vector<1x1x1xf32>
      %reduce_sum3A_26 = vector.extract %reduce_sum3A_25[0, 0, 0] : f32 from vector<1x1x1xf32>
      %mul3A_27 = arith.constant 1.1920929E-7 : f32
      %mul3A_28 = arith.mulf %reduce_sum3A_26, %mul3A_27 : f32
      %mul3A_29 = arith.mulf %mul3A_19, %mul3A_19 : vector<1024x1024xf32>
      %reduce_sum3A_30 = vector.shape_cast %mul3A_29 : vector<1024x1024xf32> to vector<1x1024x1024xf32>
      %reduce_sum3A_31 = arith.constant dense<0.000000e+00> : vector<1xf32>
      %reduce_sum3A_32 = vector.multi_reduction <add>, %reduce_sum3A_30, %reduce_sum3A_31 [1, 2] : vector<1x1024x1024xf32> to vector<1xf32>
      %reduce_sum3A_33 = vector.shape_cast %reduce_sum3A_32 : vector<1xf32> to vector<1x1x1xf32>
      %reduce_sum3A_34 = vector.extract %reduce_sum3A_33[0, 0, 0] : f32 from vector<1x1x1xf32>
      %mul3A_35 = arith.constant 9.53674316E-7 : f32
      %mul3A_36 = arith.mulf %reduce_sum3A_34, %mul3A_35 : f32
      %sub3A = arith.subf %mul3A_28, %mul3A_36 : f32
      %swap3A = arith.constant 0 : index
      %swap3A_37 = arith.constant 0 : index
      %swap3A_38 = memref.load %arg3[%swap3A, %swap3A_37] : memref<1x1xf32, #tpu.memory_space<smem>>
      memref.store %sub3A, %arg3[%swap3A, %swap3A_37] : memref<1x1xf32, #tpu.memory_space<smem>>
    } else {
    }
    return
  }
  func.func @transform_0(%arg0: i32) -> (i32, i32, i32) {
    %c0_i32 = arith.constant 0 : i32
    %c0_i32_0 = arith.constant 0 : i32
    %c0_i32_1 = arith.constant 0 : i32
    return %arg0, %c0_i32, %c0_i32_0 : i32, i32, i32
  }
  func.func @transform_1(%arg0: i32) -> (i32, i32) {
    %c0_i32 = arith.constant 0 : i32
    %c0_i32_0 = arith.constant 0 : i32
    %c0_i32_1 = arith.constant 0 : i32
    return %c0_i32, %c0_i32_0 : i32, i32
  }
  func.func @transform_2(%arg0: i32) -> (i32, i32) {
    %c0_i32 = arith.constant 0 : i32
    %c0_i32_0 = arith.constant 0 : i32
    %c0_i32_1 = arith.constant 0 : i32
    return %c0_i32, %c0_i32_0 : i32, i32
  }
}

module attributes {stable_mosaic.version = 14 : i64} {
  func.func @_mm_body(%arg0: i32, %arg1: memref<4x128xi32, #tpu.memory_space<smem>>, %arg2: memref<512x1024xf32, #tpu.memory_space<vmem>>, %arg3: memref<1x1024x1024xf32, #tpu.memory_space<vmem>>, %arg4: memref<512x1024xf32, #tpu.memory_space<vmem>>) attributes {dimension_semantics = [#tpu.dimension_semantics<arbitrary>], iteration_bounds = array<i64: 15>, scalar_prefetch = 1 : i64, scratch_operands = 0 : i64, tpu.core_type = #tpu.core_type<tc>, window_params = [{transform_indices = @transform_0, window_bounds = array<i64: 512, 1024>}, {transform_indices = @transform_1, window_bounds = array<i64: 1, 1024, 1024>}, {transform_indices = @transform_2, window_bounds = array<i64: 512, 1024>}]} {
    %sub3A = arith.constant 1 : i32
    %sub3A_0 = arith.subi %arg0, %sub3A : i32
    %max3A = arith.constant 0 : i32
    %max3A_1 = arith.maxsi %sub3A_0, %max3A : i32
    %get3A = arith.constant 0 : index
    %get3A_2 = arith.index_cast %arg0 : i32 to index
    %get3A_3 = memref.load %arg1[%get3A, %get3A_2] : memref<4x128xi32, #tpu.memory_space<smem>>
    %eq3A = arith.constant 0 : i32
    %eq3A_4 = arith.cmpi eq, %arg0, %eq3A : i32
    %get3A_5 = arith.constant 0 : index
    %get3A_6 = arith.index_cast %max3A_1 : i32 to index
    %get3A_7 = memref.load %arg1[%get3A_5, %get3A_6] : memref<4x128xi32, #tpu.memory_space<smem>>
    %ne3A = arith.cmpi ne, %get3A_7, %get3A_3 : i32
    %or3A = arith.ori %eq3A_4, %ne3A : i1
    %convert_element_type3A = arith.extui %or3A : i1 to i32
    %cond3A = arith.constant 0 : i32
    %cond3A_8 = arith.cmpi ne, %convert_element_type3A, %cond3A : i32
    scf.if %cond3A_8 {
      %broadcast_in_dim3A_36 = arith.constant 0.000000e+00 : f32
      %broadcast_in_dim3A_37 = vector.broadcast %broadcast_in_dim3A_36 : f32 to vector<512x1024xf32>
      %swap3A_38 = arith.constant 0 : index
      %swap3A_39 = arith.constant 0 : index
      %swap3A_40 = vector.load %arg4[%swap3A_38, %swap3A_39] : memref<512x1024xf32, #tpu.memory_space<vmem>>, vector<512x1024xf32>
      tpu.vector_store %arg4[%swap3A_38, %swap3A_39], %broadcast_in_dim3A_37 {strides = array<i32>} : memref<512x1024xf32, #tpu.memory_space<vmem>>, vector<512x1024xf32>,
    } else {
    }
    %mul3A = arith.constant 512 : i32
    %mul3A_9 = arith.muli %get3A_3, %mul3A : i32
    %iota3A = tpu.iota {dimensions = array<i32: 0>} : vector<512x1xi32>
    %add3A = vector.broadcast %mul3A_9 : i32 to vector<512x1xi32>
    %add3A_10 = arith.addi %add3A, %iota3A : vector<512x1xi32>
    %get3A_11 = arith.constant 2 : index
    %get3A_12 = arith.index_cast %arg0 : i32 to index
    %get3A_13 = memref.load %arg1[%get3A_11, %get3A_12] : memref<4x128xi32, #tpu.memory_space<smem>>
    %ge3A = vector.broadcast %get3A_13 : i32 to vector<512x1xi32>
    %ge3A_14 = arith.cmpi sge, %add3A_10, %ge3A : vector<512x1xi32>
    %get3A_15 = arith.constant 3 : index
    %get3A_16 = arith.index_cast %arg0 : i32 to index
    %get3A_17 = memref.load %arg1[%get3A_15, %get3A_16] : memref<4x128xi32, #tpu.memory_space<smem>>
    %lt3A = vector.broadcast %get3A_17 : i32 to vector<512x1xi32>
    %lt3A_18 = arith.cmpi slt, %add3A_10, %lt3A : vector<512x1xi32>
    %and3A = arith.andi %ge3A_14, %lt3A_18 : vector<512x1xi1>
    %get3A_19 = arith.constant 0 : index
    %get3A_20 = arith.constant 0 : index
    %get3A_21 = vector.load %arg2[%get3A_19, %get3A_20] : memref<512x1024xf32, #tpu.memory_space<vmem>>, vector<512x1024xf32>
    %get3A_22 = arith.constant 0 : index
    %get3A_23 = arith.constant 0 : index
    %get3A_24 = arith.constant 0 : index
    %get3A_25 = vector.load %arg3[%get3A_22, %get3A_23, %get3A_24] : memref<1x1024x1024xf32, #tpu.memory_space<vmem>>, vector<1x1024x1024xf32>
    %get3A_26 = vector.shape_cast %get3A_25 : vector<1x1024x1024xf32> to vector<1024x1024xf32>
    %dot_general3A = arith.constant dense<0.000000e+00> : vector<512x1024xf32>
    %dot_general3A_27 = tpu.matmul %get3A_21, %get3A_26, %dot_general3A {dimension_numbers = #tpu.dot_dimension_numbers<[1], [1], [0], [0], [0, 0, 1, 0], [], []>, transpose_lhs_hint = false} : vector<512x1024xf32>, vector<1024x1024xf32>, vector<512x1024xf32> -> vector<512x1024xf32>
    %get3A_28 = arith.constant 0 : index
    %get3A_29 = arith.constant 0 : index
    %get3A_30 = vector.load %arg4[%get3A_28, %get3A_29] : memref<512x1024xf32, #tpu.memory_space<vmem>>, vector<512x1024xf32>
    %jit3A = arith.constant 0.000000e+00 : f32
    %broadcast_in_dim3A = vector.shape_cast %and3A : vector<512x1xi1> to vector<512x1xi1>
    %broadcast_in_dim3A_31 = vector.broadcast %broadcast_in_dim3A : vector<512x1xi1> to vector<512x1024xi1>
    %broadcast_in_dim3A_32 = vector.broadcast %jit3A : f32 to vector<512x1024xf32>
    %select_n3A = arith.select %broadcast_in_dim3A_31, %dot_general3A_27, %broadcast_in_dim3A_32 : vector<512x1024xi1>, vector<512x1024xf32>
    %add3A_33 = arith.addf %get3A_30, %select_n3A : vector<512x1024xf32>
    %swap3A = arith.constant 0 : index
    %swap3A_34 = arith.constant 0 : index
    %swap3A_35 = vector.load %arg4[%swap3A, %swap3A_34] : memref<512x1024xf32, #tpu.memory_space<vmem>>, vector<512x1024xf32>
    tpu.vector_store %arg4[%swap3A, %swap3A_34], %add3A_33 {strides = array<i32>} : memref<512x1024xf32, #tpu.memory_space<vmem>>, vector<512x1024xf32>,
    return
  }
  func.func @transform_0(%arg0: i32, %arg1: memref<4x128xi32, #tpu.memory_space<smem>>) -> (i32, i32) {
    %get3A = arith.constant 0 : index
    %get3A_0 = arith.index_cast %arg0 : i32 to index
    %get3A_1 = memref.load %arg1[%get3A, %get3A_0] : memref<4x128xi32, #tpu.memory_space<smem>>
    %c0_i32 = arith.constant 0 : i32
    %c0_i32_2 = arith.constant 0 : i32
    return %get3A_1, %c0_i32 : i32, i32
  }
  func.func @transform_1(%arg0: i32, %arg1: memref<4x128xi32, #tpu.memory_space<smem>>) -> (i32, i32, i32) {
    %get3A = arith.constant 1 : index
    %get3A_0 = arith.index_cast %arg0 : i32 to index
    %get3A_1 = memref.load %arg1[%get3A, %get3A_0] : memref<4x128xi32, #tpu.memory_space<smem>>
    %c0_i32 = arith.constant 0 : i32
    %c0_i32_2 = arith.constant 0 : i32
    %c0_i32_3 = arith.constant 0 : i32
    return %get3A_1, %c0_i32, %c0_i32_2 : i32, i32, i32
  }
  func.func @transform_2(%arg0: i32, %arg1: memref<4x128xi32, #tpu.memory_space<smem>>) -> (i32, i32) {
    %get3A = arith.constant 0 : index
    %get3A_0 = arith.index_cast %arg0 : i32 to index
    %get3A_1 = memref.load %arg1[%get3A, %get3A_0] : memref<4x128xi32, #tpu.memory_space<smem>>
    %c0_i32 = arith.constant 0 : i32
    %c0_i32_2 = arith.constant 0 : i32
    return %get3A_1, %c0_i32 : i32, i32
  }
}

module attributes {stable_mosaic.version = 14 : i64} {
  func.func @_route_body(%arg0: memref<32x128xi32, #tpu.memory_space<vmem>>, %arg1: memref<32x128xi32, #tpu.memory_space<vmem>>, %arg2: memref<4x128xi32, #tpu.memory_space<vmem>>) attributes {dimension_semantics = [], scalar_prefetch = 0 : i64, scratch_operands = 0 : i64, tpu.core_type = #tpu.core_type<tc>} {
    %get3A = arith.constant 0 : index
    %get3A_0 = arith.constant 0 : index
    %get3A_1 = vector.load %arg0[%get3A, %get3A_0] : memref<32x128xi32, #tpu.memory_space<vmem>>, vector<32x128xi32>
    %iota3A = tpu.iota {dimensions = array<i32: 0>} : vector<128x128xi32>
    %iota3A_2 = tpu.iota {dimensions = array<i32: 1>} : vector<128x128xi32>
    %le3A = arith.cmpi sle, %iota3A, %iota3A_2 : vector<128x128xi32>
    %convert_element_type3A = arith.extui %le3A : vector<128x128xi1> to vector<128x128xi32>
    %convert_element_type3A_3 = arith.sitofp %convert_element_type3A : vector<128x128xi32> to vector<128x128xf32>
    %iota3A_4 = tpu.iota {dimensions = array<i32: 1>} : vector<32x32xi32>
    %iota3A_5 = tpu.iota {dimensions = array<i32: 0>} : vector<32x32xi32>
    %lt3A = arith.cmpi slt, %iota3A_4, %iota3A_5 : vector<32x32xi32>
    %convert_element_type3A_6 = arith.extui %lt3A : vector<32x32xi1> to vector<32x32xi32>
    %convert_element_type3A_7 = arith.sitofp %convert_element_type3A_6 : vector<32x32xi32> to vector<32x32xf32>
    %broadcast_in_dim3A = arith.constant 0.000000e+00 : f32
    %broadcast_in_dim3A_8 = vector.broadcast %broadcast_in_dim3A : f32 to vector<32x128xf32>
    %eq3A = arith.constant 0 : i32
    %eq3A_9 = vector.broadcast %eq3A : i32 to vector<32x128xi32>
    %eq3A_10 = arith.cmpi eq, %get3A_1, %eq3A_9 : vector<32x128xi32>
    %convert_element_type3A_11 = arith.extui %eq3A_10 : vector<32x128xi1> to vector<32x128xi32>
    %convert_element_type3A_12 = arith.sitofp %convert_element_type3A_11 : vector<32x128xi32> to vector<32x128xf32>
    %dot_general3A = arith.constant dense<0.000000e+00> : vector<32x128xf32>
    %dot_general3A_13 = tpu.matmul %convert_element_type3A_12, %convert_element_type3A_3, %dot_general3A {dimension_numbers = #tpu.dot_dimension_numbers<[1], [0], [0], [1], [0, 0, 1, 1], [], []>, transpose_lhs_hint = false} : vector<32x128xf32>, vector<128x128xf32>, vector<32x128xf32> -> vector<32x128xf32>
    %reduce_sum3A = arith.constant dense<0.000000e+00> : vector<32xf32>
    %reduce_sum3A_14 = vector.multi_reduction <add>, %convert_element_type3A_12, %reduce_sum3A [1] : vector<32x128xf32> to vector<32xf32>
    %broadcast_in_dim3A_15 = vector.shape_cast %reduce_sum3A_14 : vector<32xf32> to vector<32x1xf32>
    %dot_general3A_16 = arith.constant dense<0.000000e+00> : vector<32x1xf32>
    %dot_general3A_17 = tpu.matmul %convert_element_type3A_7, %broadcast_in_dim3A_15, %dot_general3A_16 {dimension_numbers = #tpu.dot_dimension_numbers<[1], [0], [0], [1], [0, 0, 1, 1], [], []>, transpose_lhs_hint = false} : vector<32x32xf32>, vector<32x1xf32>, vector<32x1xf32> -> vector<32x1xf32>
    %add3A = vector.broadcast %dot_general3A_17 : vector<32x1xf32> to vector<32x128xf32>
    %add3A_18 = arith.addf %add3A, %dot_general3A_13 : vector<32x128xf32>
    %sub3A = arith.subf %add3A_18, %convert_element_type3A_12 : vector<32x128xf32>
    %add3A_19 = arith.constant 0.000000e+00 : f32
    %add3A_20 = vector.broadcast %add3A_19 : f32 to vector<32x128xf32>
    %add3A_21 = arith.addf %add3A_20, %sub3A : vector<32x128xf32>
    %mul3A = arith.mulf %convert_element_type3A_12, %add3A_21 : vector<32x128xf32>
    %add3A_22 = arith.addf %broadcast_in_dim3A_8, %mul3A : vector<32x128xf32>
    %reduce_sum3A_23 = vector.shape_cast %broadcast_in_dim3A_15 : vector<32x1xf32> to vector<1x32x1xf32>
    %reduce_sum3A_24 = arith.constant dense<0.000000e+00> : vector<1xf32>
    %reduce_sum3A_25 = vector.multi_reduction <add>, %reduce_sum3A_23, %reduce_sum3A_24 [1, 2] : vector<1x32x1xf32> to vector<1xf32>
    %reduce_sum3A_26 = vector.shape_cast %reduce_sum3A_25 : vector<1xf32> to vector<1x1x1xf32>
    %reduce_sum3A_27 = vector.extract %reduce_sum3A_26[0, 0, 0] : f32 from vector<1x1x1xf32>
    %add3A_28 = arith.constant 0.000000e+00 : f32
    %add3A_29 = arith.addf %add3A_28, %reduce_sum3A_27 : f32
    %eq3A_30 = arith.constant 1 : i32
    %eq3A_31 = vector.broadcast %eq3A_30 : i32 to vector<32x128xi32>
    %eq3A_32 = arith.cmpi eq, %get3A_1, %eq3A_31 : vector<32x128xi32>
    %convert_element_type3A_33 = arith.extui %eq3A_32 : vector<32x128xi1> to vector<32x128xi32>
    %convert_element_type3A_34 = arith.sitofp %convert_element_type3A_33 : vector<32x128xi32> to vector<32x128xf32>
    %dot_general3A_35 = arith.constant dense<0.000000e+00> : vector<32x128xf32>
    %dot_general3A_36 = tpu.matmul %convert_element_type3A_34, %convert_element_type3A_3, %dot_general3A_35 {dimension_numbers = #tpu.dot_dimension_numbers<[1], [0], [0], [1], [0, 0, 1, 1], [], []>, transpose_lhs_hint = false} : vector<32x128xf32>, vector<128x128xf32>, vector<32x128xf32> -> vector<32x128xf32>
    %reduce_sum3A_37 = arith.constant dense<0.000000e+00> : vector<32xf32>
    %reduce_sum3A_38 = vector.multi_reduction <add>, %convert_element_type3A_34, %reduce_sum3A_37 [1] : vector<32x128xf32> to vector<32xf32>
    %broadcast_in_dim3A_39 = vector.shape_cast %reduce_sum3A_38 : vector<32xf32> to vector<32x1xf32>
    %dot_general3A_40 = arith.constant dense<0.000000e+00> : vector<32x1xf32>
    %dot_general3A_41 = tpu.matmul %convert_element_type3A_7, %broadcast_in_dim3A_39, %dot_general3A_40 {dimension_numbers = #tpu.dot_dimension_numbers<[1], [0], [0], [1], [0, 0, 1, 1], [], []>, transpose_lhs_hint = false} : vector<32x32xf32>, vector<32x1xf32>, vector<32x1xf32> -> vector<32x1xf32>
    %add3A_42 = vector.broadcast %dot_general3A_41 : vector<32x1xf32> to vector<32x128xf32>
    %add3A_43 = arith.addf %add3A_42, %dot_general3A_36 : vector<32x128xf32>
    %sub3A_44 = arith.subf %add3A_43, %convert_element_type3A_34 : vector<32x128xf32>
    %add3A_45 = vector.broadcast %add3A_29 : f32 to vector<32x128xf32>
    %add3A_46 = arith.addf %add3A_45, %sub3A_44 : vector<32x128xf32>
    %mul3A_47 = arith.mulf %convert_element_type3A_34, %add3A_46 : vector<32x128xf32>
    %add3A_48 = arith.addf %add3A_22, %mul3A_47 : vector<32x128xf32>
    %reduce_sum3A_49 = vector.shape_cast %broadcast_in_dim3A_39 : vector<32x1xf32> to vector<1x32x1xf32>
    %reduce_sum3A_50 = arith.constant dense<0.000000e+00> : vector<1xf32>
    %reduce_sum3A_51 = vector.multi_reduction <add>, %reduce_sum3A_49, %reduce_sum3A_50 [1, 2] : vector<1x32x1xf32> to vector<1xf32>
    %reduce_sum3A_52 = vector.shape_cast %reduce_sum3A_51 : vector<1xf32> to vector<1x1x1xf32>
    %reduce_sum3A_53 = vector.extract %reduce_sum3A_52[0, 0, 0] : f32 from vector<1x1x1xf32>
    %add3A_54 = arith.addf %add3A_29, %reduce_sum3A_53 : f32
    %eq3A_55 = arith.constant 2 : i32
    %eq3A_56 = vector.broadcast %eq3A_55 : i32 to vector<32x128xi32>
    %eq3A_57 = arith.cmpi eq, %get3A_1, %eq3A_56 : vector<32x128xi32>
    %convert_element_type3A_58 = arith.extui %eq3A_57 : vector<32x128xi1> to vector<32x128xi32>
    %convert_element_type3A_59 = arith.sitofp %convert_element_type3A_58 : vector<32x128xi32> to vector<32x128xf32>
    %dot_general3A_60 = arith.constant dense<0.000000e+00> : vector<32x128xf32>
    %dot_general3A_61 = tpu.matmul %convert_element_type3A_59, %convert_element_type3A_3, %dot_general3A_60 {dimension_numbers = #tpu.dot_dimension_numbers<[1], [0], [0], [1], [0, 0, 1, 1], [], []>, transpose_lhs_hint = false} : vector<32x128xf32>, vector<128x128xf32>, vector<32x128xf32> -> vector<32x128xf32>
    %reduce_sum3A_62 = arith.constant dense<0.000000e+00> : vector<32xf32>
    %reduce_sum3A_63 = vector.multi_reduction <add>, %convert_element_type3A_59, %reduce_sum3A_62 [1] : vector<32x128xf32> to vector<32xf32>
    %broadcast_in_dim3A_64 = vector.shape_cast %reduce_sum3A_63 : vector<32xf32> to vector<32x1xf32>
    %dot_general3A_65 = arith.constant dense<0.000000e+00> : vector<32x1xf32>
    %dot_general3A_66 = tpu.matmul %convert_element_type3A_7, %broadcast_in_dim3A_64, %dot_general3A_65 {dimension_numbers = #tpu.dot_dimension_numbers<[1], [0], [0], [1], [0, 0, 1, 1], [], []>, transpose_lhs_hint = false} : vector<32x32xf32>, vector<32x1xf32>, vector<32x1xf32> -> vector<32x1xf32>
    %add3A_67 = vector.broadcast %dot_general3A_66 : vector<32x1xf32> to vector<32x128xf32>
    %add3A_68 = arith.addf %add3A_67, %dot_general3A_61 : vector<32x128xf32>
    %sub3A_69 = arith.subf %add3A_68, %convert_element_type3A_59 : vector<32x128xf32>
    %add3A_70 = vector.broadcast %add3A_54 : f32 to vector<32x128xf32>
    %add3A_71 = arith.addf %add3A_70, %sub3A_69 : vector<32x128xf32>
    %mul3A_72 = arith.mulf %convert_element_type3A_59, %add3A_71 : vector<32x128xf32>
    %add3A_73 = arith.addf %add3A_48, %mul3A_72 : vector<32x128xf32>
    %reduce_sum3A_74 = vector.shape_cast %broadcast_in_dim3A_64 : vector<32x1xf32> to vector<1x32x1xf32>
    %reduce_sum3A_75 = arith.constant dense<0.000000e+00> : vector<1xf32>
    %reduce_sum3A_76 = vector.multi_reduction <add>, %reduce_sum3A_74, %reduce_sum3A_75 [1, 2] : vector<1x32x1xf32> to vector<1xf32>
    %reduce_sum3A_77 = vector.shape_cast %reduce_sum3A_76 : vector<1xf32> to vector<1x1x1xf32>
    %reduce_sum3A_78 = vector.extract %reduce_sum3A_77[0, 0, 0] : f32 from vector<1x1x1xf32>
    %add3A_79 = arith.addf %add3A_54, %reduce_sum3A_78 : f32
    %eq3A_80 = arith.constant 3 : i32
    %eq3A_81 = vector.broadcast %eq3A_80 : i32 to vector<32x128xi32>
    %eq3A_82 = arith.cmpi eq, %get3A_1, %eq3A_81 : vector<32x128xi32>
    %convert_element_type3A_83 = arith.extui %eq3A_82 : vector<32x128xi1> to vector<32x128xi32>
    %convert_element_type3A_84 = arith.sitofp %convert_element_type3A_83 : vector<32x128xi32> to vector<32x128xf32>
    %dot_general3A_85 = arith.constant dense<0.000000e+00> : vector<32x128xf32>
    %dot_general3A_86 = tpu.matmul %convert_element_type3A_84, %convert_element_type3A_3, %dot_general3A_85 {dimension_numbers = #tpu.dot_dimension_numbers<[1], [0], [0], [1], [0, 0, 1, 1], [], []>, transpose_lhs_hint = false} : vector<32x128xf32>, vector<128x128xf32>, vector<32x128xf32> -> vector<32x128xf32>
    %reduce_sum3A_87 = arith.constant dense<0.000000e+00> : vector<32xf32>
    %reduce_sum3A_88 = vector.multi_reduction <add>, %convert_element_type3A_84, %reduce_sum3A_87 [1] : vector<32x128xf32> to vector<32xf32>
    %broadcast_in_dim3A_89 = vector.shape_cast %reduce_sum3A_88 : vector<32xf32> to vector<32x1xf32>
    %dot_general3A_90 = arith.constant dense<0.000000e+00> : vector<32x1xf32>
    %dot_general3A_91 = tpu.matmul %convert_element_type3A_7, %broadcast_in_dim3A_89, %dot_general3A_90 {dimension_numbers = #tpu.dot_dimension_numbers<[1], [0], [0], [1], [0, 0, 1, 1], [], []>, transpose_lhs_hint = false} : vector<32x32xf32>, vector<32x1xf32>, vector<32x1xf32> -> vector<32x1xf32>
    %add3A_92 = vector.broadcast %dot_general3A_91 : vector<32x1xf32> to vector<32x128xf32>
    %add3A_93 = arith.addf %add3A_92, %dot_general3A_86 : vector<32x128xf32>
    %sub3A_94 = arith.subf %add3A_93, %convert_element_type3A_84 : vector<32x128xf32>
    %add3A_95 = vector.broadcast %add3A_79 : f32 to vector<32x128xf32>
    %add3A_96 = arith.addf %add3A_95, %sub3A_94 : vector<32x128xf32>
    %mul3A_97 = arith.mulf %convert_element_type3A_84, %add3A_96 : vector<32x128xf32>
    %add3A_98 = arith.addf %add3A_73, %mul3A_97 : vector<32x128xf32>
    %reduce_sum3A_99 = vector.shape_cast %broadcast_in_dim3A_89 : vector<32x1xf32> to vector<1x32x1xf32>
    %reduce_sum3A_100 = arith.constant dense<0.000000e+00> : vector<1xf32>
    %reduce_sum3A_101 = vector.multi_reduction <add>, %reduce_sum3A_99, %reduce_sum3A_100 [1, 2] : vector<1x32x1xf32> to vector<1xf32>
    %reduce_sum3A_102 = vector.shape_cast %reduce_sum3A_101 : vector<1xf32> to vector<1x1x1xf32>
    %reduce_sum3A_103 = vector.extract %reduce_sum3A_102[0, 0, 0] : f32 from vector<1x1x1xf32>
    %add3A_104 = arith.addf %add3A_79, %reduce_sum3A_103 : f32
    %eq3A_105 = arith.constant 4 : i32
    %eq3A_106 = vector.broadcast %eq3A_105 : i32 to vector<32x128xi32>
    %eq3A_107 = arith.cmpi eq, %get3A_1, %eq3A_106 : vector<32x128xi32>
    %convert_element_type3A_108 = arith.extui %eq3A_107 : vector<32x128xi1> to vector<32x128xi32>
    %convert_element_type3A_109 = arith.sitofp %convert_element_type3A_108 : vector<32x128xi32> to vector<32x128xf32>
    %dot_general3A_110 = arith.constant dense<0.000000e+00> : vector<32x128xf32>
    %dot_general3A_111 = tpu.matmul %convert_element_type3A_109, %convert_element_type3A_3, %dot_general3A_110 {dimension_numbers = #tpu.dot_dimension_numbers<[1], [0], [0], [1], [0, 0, 1, 1], [], []>, transpose_lhs_hint = false} : vector<32x128xf32>, vector<128x128xf32>, vector<32x128xf32> -> vector<32x128xf32>
    %reduce_sum3A_112 = arith.constant dense<0.000000e+00> : vector<32xf32>
    %reduce_sum3A_113 = vector.multi_reduction <add>, %convert_element_type3A_109, %reduce_sum3A_112 [1] : vector<32x128xf32> to vector<32xf32>
    %broadcast_in_dim3A_114 = vector.shape_cast %reduce_sum3A_113 : vector<32xf32> to vector<32x1xf32>
    %dot_general3A_115 = arith.constant dense<0.000000e+00> : vector<32x1xf32>
    %dot_general3A_116 = tpu.matmul %convert_element_type3A_7, %broadcast_in_dim3A_114, %dot_general3A_115 {dimension_numbers = #tpu.dot_dimension_numbers<[1], [0], [0], [1], [0, 0, 1, 1], [], []>, transpose_lhs_hint = false} : vector<32x32xf32>, vector<32x1xf32>, vector<32x1xf32> -> vector<32x1xf32>
    %add3A_117 = vector.broadcast %dot_general3A_116 : vector<32x1xf32> to vector<32x128xf32>
    %add3A_118 = arith.addf %add3A_117, %dot_general3A_111 : vector<32x128xf32>
    %sub3A_119 = arith.subf %add3A_118, %convert_element_type3A_109 : vector<32x128xf32>
    %add3A_120 = vector.broadcast %add3A_104 : f32 to vector<32x128xf32>
    %add3A_121 = arith.addf %add3A_120, %sub3A_119 : vector<32x128xf32>
    %mul3A_122 = arith.mulf %convert_element_type3A_109, %add3A_121 : vector<32x128xf32>
    %add3A_123 = arith.addf %add3A_98, %mul3A_122 : vector<32x128xf32>
    %reduce_sum3A_124 = vector.shape_cast %broadcast_in_dim3A_114 : vector<32x1xf32> to vector<1x32x1xf32>
    %reduce_sum3A_125 = arith.constant dense<0.000000e+00> : vector<1xf32>
    %reduce_sum3A_126 = vector.multi_reduction <add>, %reduce_sum3A_124, %reduce_sum3A_125 [1, 2] : vector<1x32x1xf32> to vector<1xf32>
    %reduce_sum3A_127 = vector.shape_cast %reduce_sum3A_126 : vector<1xf32> to vector<1x1x1xf32>
    %reduce_sum3A_128 = vector.extract %reduce_sum3A_127[0, 0, 0] : f32 from vector<1x1x1xf32>
    %add3A_129 = arith.addf %add3A_104, %reduce_sum3A_128 : f32
    %eq3A_130 = arith.constant 5 : i32
    %eq3A_131 = vector.broadcast %eq3A_130 : i32 to vector<32x128xi32>
    %eq3A_132 = arith.cmpi eq, %get3A_1, %eq3A_131 : vector<32x128xi32>
    %convert_element_type3A_133 = arith.extui %eq3A_132 : vector<32x128xi1> to vector<32x128xi32>
    %convert_element_type3A_134 = arith.sitofp %convert_element_type3A_133 : vector<32x128xi32> to vector<32x128xf32>
    %dot_general3A_135 = arith.constant dense<0.000000e+00> : vector<32x128xf32>
    %dot_general3A_136 = tpu.matmul %convert_element_type3A_134, %convert_element_type3A_3, %dot_general3A_135 {dimension_numbers = #tpu.dot_dimension_numbers<[1], [0], [0], [1], [0, 0, 1, 1], [], []>, transpose_lhs_hint = false} : vector<32x128xf32>, vector<128x128xf32>, vector<32x128xf32> -> vector<32x128xf32>
    %reduce_sum3A_137 = arith.constant dense<0.000000e+00> : vector<32xf32>
    %reduce_sum3A_138 = vector.multi_reduction <add>, %convert_element_type3A_134, %reduce_sum3A_137 [1] : vector<32x128xf32> to vector<32xf32>
    %broadcast_in_dim3A_139 = vector.shape_cast %reduce_sum3A_138 : vector<32xf32> to vector<32x1xf32>
    %dot_general3A_140 = arith.constant dense<0.000000e+00> : vector<32x1xf32>
    %dot_general3A_141 = tpu.matmul %convert_element_type3A_7, %broadcast_in_dim3A_139, %dot_general3A_140 {dimension_numbers = #tpu.dot_dimension_numbers<[1], [0], [0], [1], [0, 0, 1, 1], [], []>, transpose_lhs_hint = false} : vector<32x32xf32>, vector<32x1xf32>, vector<32x1xf32> -> vector<32x1xf32>
    %add3A_142 = vector.broadcast %dot_general3A_141 : vector<32x1xf32> to vector<32x128xf32>
    %add3A_143 = arith.addf %add3A_142, %dot_general3A_136 : vector<32x128xf32>
    %sub3A_144 = arith.subf %add3A_143, %convert_element_type3A_134 : vector<32x128xf32>
    %add3A_145 = vector.broadcast %add3A_129 : f32 to vector<32x128xf32>
    %add3A_146 = arith.addf %add3A_145, %sub3A_144 : vector<32x128xf32>
    %mul3A_147 = arith.mulf %convert_element_type3A_134, %add3A_146 : vector<32x128xf32>
    %add3A_148 = arith.addf %add3A_123, %mul3A_147 : vector<32x128xf32>
    %reduce_sum3A_149 = vector.shape_cast %broadcast_in_dim3A_139 : vector<32x1xf32> to vector<1x32x1xf32>
    %reduce_sum3A_150 = arith.constant dense<0.000000e+00> : vector<1xf32>
    %reduce_sum3A_151 = vector.multi_reduction <add>, %reduce_sum3A_149, %reduce_sum3A_150 [1, 2] : vector<1x32x1xf32> to vector<1xf32>
    %reduce_sum3A_152 = vector.shape_cast %reduce_sum3A_151 : vector<1xf32> to vector<1x1x1xf32>
    %reduce_sum3A_153 = vector.extract %reduce_sum3A_152[0, 0, 0] : f32 from vector<1x1x1xf32>
    %add3A_154 = arith.addf %add3A_129, %reduce_sum3A_153 : f32
    %eq3A_155 = arith.constant 6 : i32
    %eq3A_156 = vector.broadcast %eq3A_155 : i32 to vector<32x128xi32>
    %eq3A_157 = arith.cmpi eq, %get3A_1, %eq3A_156 : vector<32x128xi32>
    %convert_element_type3A_158 = arith.extui %eq3A_157 : vector<32x128xi1> to vector<32x128xi32>
    %convert_element_type3A_159 = arith.sitofp %convert_element_type3A_158 : vector<32x128xi32> to vector<32x128xf32>
    %dot_general3A_160 = arith.constant dense<0.000000e+00> : vector<32x128xf32>
    %dot_general3A_161 = tpu.matmul %convert_element_type3A_159, %convert_element_type3A_3, %dot_general3A_160 {dimension_numbers = #tpu.dot_dimension_numbers<[1], [0], [0], [1], [0, 0, 1, 1], [], []>, transpose_lhs_hint = false} : vector<32x128xf32>, vector<128x128xf32>, vector<32x128xf32> -> vector<32x128xf32>
    %reduce_sum3A_162 = arith.constant dense<0.000000e+00> : vector<32xf32>
    %reduce_sum3A_163 = vector.multi_reduction <add>, %convert_element_type3A_159, %reduce_sum3A_162 [1] : vector<32x128xf32> to vector<32xf32>
    %broadcast_in_dim3A_164 = vector.shape_cast %reduce_sum3A_163 : vector<32xf32> to vector<32x1xf32>
    %dot_general3A_165 = arith.constant dense<0.000000e+00> : vector<32x1xf32>
    %dot_general3A_166 = tpu.matmul %convert_element_type3A_7, %broadcast_in_dim3A_164, %dot_general3A_165 {dimension_numbers = #tpu.dot_dimension_numbers<[1], [0], [0], [1], [0, 0, 1, 1], [], []>, transpose_lhs_hint = false} : vector<32x32xf32>, vector<32x1xf32>, vector<32x1xf32> -> vector<32x1xf32>
    %add3A_167 = vector.broadcast %dot_general3A_166 : vector<32x1xf32> to vector<32x128xf32>
    %add3A_168 = arith.addf %add3A_167, %dot_general3A_161 : vector<32x128xf32>
    %sub3A_169 = arith.subf %add3A_168, %convert_element_type3A_159 : vector<32x128xf32>
    %add3A_170 = vector.broadcast %add3A_154 : f32 to vector<32x128xf32>
    %add3A_171 = arith.addf %add3A_170, %sub3A_169 : vector<32x128xf32>
    %mul3A_172 = arith.mulf %convert_element_type3A_159, %add3A_171 : vector<32x128xf32>
    %add3A_173 = arith.addf %add3A_148, %mul3A_172 : vector<32x128xf32>
    %reduce_sum3A_174 = vector.shape_cast %broadcast_in_dim3A_164 : vector<32x1xf32> to vector<1x32x1xf32>
    %reduce_sum3A_175 = arith.constant dense<0.000000e+00> : vector<1xf32>
    %reduce_sum3A_176 = vector.multi_reduction <add>, %reduce_sum3A_174, %reduce_sum3A_175 [1, 2] : vector<1x32x1xf32> to vector<1xf32>
    %reduce_sum3A_177 = vector.shape_cast %reduce_sum3A_176 : vector<1xf32> to vector<1x1x1xf32>
    %reduce_sum3A_178 = vector.extract %reduce_sum3A_177[0, 0, 0] : f32 from vector<1x1x1xf32>
    %add3A_179 = arith.addf %add3A_154, %reduce_sum3A_178 : f32
    %eq3A_180 = arith.constant 7 : i32
    %eq3A_181 = vector.broadcast %eq3A_180 : i32 to vector<32x128xi32>
    %eq3A_182 = arith.cmpi eq, %get3A_1, %eq3A_181 : vector<32x128xi32>
    %convert_element_type3A_183 = arith.extui %eq3A_182 : vector<32x128xi1> to vector<32x128xi32>
    %convert_element_type3A_184 = arith.sitofp %convert_element_type3A_183 : vector<32x128xi32> to vector<32x128xf32>
    %dot_general3A_185 = arith.constant dense<0.000000e+00> : vector<32x128xf32>
    %dot_general3A_186 = tpu.matmul %convert_element_type3A_184, %convert_element_type3A_3, %dot_general3A_185 {dimension_numbers = #tpu.dot_dimension_numbers<[1], [0], [0], [1], [0, 0, 1, 1], [], []>, transpose_lhs_hint = false} : vector<32x128xf32>, vector<128x128xf32>, vector<32x128xf32> -> vector<32x128xf32>
    %reduce_sum3A_187 = arith.constant dense<0.000000e+00> : vector<32xf32>
    %reduce_sum3A_188 = vector.multi_reduction <add>, %convert_element_type3A_184, %reduce_sum3A_187 [1] : vector<32x128xf32> to vector<32xf32>
    %broadcast_in_dim3A_189 = vector.shape_cast %reduce_sum3A_188 : vector<32xf32> to vector<32x1xf32>
    %dot_general3A_190 = arith.constant dense<0.000000e+00> : vector<32x1xf32>
    %dot_general3A_191 = tpu.matmul %convert_element_type3A_7, %broadcast_in_dim3A_189, %dot_general3A_190 {dimension_numbers = #tpu.dot_dimension_numbers<[1], [0], [0], [1], [0, 0, 1, 1], [], []>, transpose_lhs_hint = false} : vector<32x32xf32>, vector<32x1xf32>, vector<32x1xf32> -> vector<32x1xf32>
    %add3A_192 = vector.broadcast %dot_general3A_191 : vector<32x1xf32> to vector<32x128xf32>
    %add3A_193 = arith.addf %add3A_192, %dot_general3A_186 : vector<32x128xf32>
    %sub3A_194 = arith.subf %add3A_193, %convert_element_type3A_184 : vector<32x128xf32>
    %add3A_195 = vector.broadcast %add3A_179 : f32 to vector<32x128xf32>
    %add3A_196 = arith.addf %add3A_195, %sub3A_194 : vector<32x128xf32>
    %mul3A_197 = arith.mulf %convert_element_type3A_184, %add3A_196 : vector<32x128xf32>
    %add3A_198 = arith.addf %add3A_173, %mul3A_197 : vector<32x128xf32>
    %reduce_sum3A_199 = vector.shape_cast %broadcast_in_dim3A_189 : vector<32x1xf32> to vector<1x32x1xf32>
    %reduce_sum3A_200 = arith.constant dense<0.000000e+00> : vector<1xf32>
    %reduce_sum3A_201 = vector.multi_reduction <add>, %reduce_sum3A_199, %reduce_sum3A_200 [1, 2] : vector<1x32x1xf32> to vector<1xf32>
    %reduce_sum3A_202 = vector.shape_cast %reduce_sum3A_201 : vector<1xf32> to vector<1x1x1xf32>
    %reduce_sum3A_203 = vector.extract %reduce_sum3A_202[0, 0, 0] : f32 from vector<1x1x1xf32>
    %add3A_204 = arith.addf %add3A_179, %reduce_sum3A_203 : f32
    %convert_element_type3A_205 = arith.fptosi %add3A_198 : vector<32x128xf32> to vector<32x128xi32>
    %swap3A = arith.constant 0 : index
    %swap3A_206 = arith.constant 0 : index
    %swap3A_207 = vector.load %arg1[%swap3A, %swap3A_206] : memref<32x128xi32, #tpu.memory_space<vmem>>, vector<32x128xi32>
    tpu.vector_store %arg1[%swap3A, %swap3A_206], %convert_element_type3A_205 {strides = array<i32>} : memref<32x128xi32, #tpu.memory_space<vmem>>, vector<32x128xi32>,
    %convert_element_type3A_208 = arith.fptosi %add3A_29 : f32 to i32
    %convert_element_type3A_209 = arith.fptosi %add3A_54 : f32 to i32
    %convert_element_type3A_210 = arith.fptosi %add3A_79 : f32 to i32
    %convert_element_type3A_211 = arith.fptosi %add3A_104 : f32 to i32
    %convert_element_type3A_212 = arith.fptosi %add3A_129 : f32 to i32
    %convert_element_type3A_213 = arith.fptosi %add3A_154 : f32 to i32
    %convert_element_type3A_214 = arith.fptosi %add3A_179 : f32 to i32
    %convert_element_type3A_215 = arith.fptosi %add3A_204 : f32 to i32
    %iota3A_216 = tpu.iota {dimensions = array<i32: 1>} : vector<1x128xi32>
    %sub3A_217 = arith.constant 0 : i32
    %sub3A_218 = arith.subi %convert_element_type3A_208, %sub3A_217 : i32
    %jit3A = arith.constant 0 : i32
    %jit3A_219 = arith.constant 512 : i32
    %div3A = arith.divsi %jit3A, %jit3A_219 : i32
    %sign3A = arith.constant 0 : i32
    %sign3A_220 = arith.cmpi sgt, %jit3A, %sign3A : i32
    %sign3A_221 = arith.extui %sign3A_220 : i1 to i32
    %sign3A_222 = arith.constant 0 : i32
    %sign3A_223 = arith.cmpi slt, %jit3A, %sign3A_222 : i32
    %sign3A_224 = arith.extui %sign3A_223 : i1 to i32
    %sign3A_225 = arith.subi %sign3A_221, %sign3A_224 : i32
    %sign3A_226 = arith.constant 0 : i32
    %sign3A_227 = arith.cmpi sgt, %jit3A_219, %sign3A_226 : i32
    %sign3A_228 = arith.extui %sign3A_227 : i1 to i32
    %sign3A_229 = arith.constant 0 : i32
    %sign3A_230 = arith.cmpi slt, %jit3A_219, %sign3A_229 : i32
    %sign3A_231 = arith.extui %sign3A_230 : i1 to i32
    %sign3A_232 = arith.subi %sign3A_228, %sign3A_231 : i32
    %ne3A = arith.cmpi ne, %sign3A_225, %sign3A_232 : i32
    %rem3A = arith.remsi %jit3A, %jit3A_219 : i32
    %ne3A_233 = arith.constant 0 : i32
    %ne3A_234 = arith.cmpi ne, %rem3A, %ne3A_233 : i32
    %and3A = arith.andi %ne3A, %ne3A_234 : i1
    %sub3A_235 = arith.constant 1 : i32
    %sub3A_236 = arith.subi %div3A, %sub3A_235 : i32
    %select_n3A = arith.select %and3A, %sub3A_236, %div3A : i32
    %min3A = arith.constant 7 : i32
    %min3A_237 = arith.minsi %select_n3A, %min3A : i32
    %sub3A_238 = arith.constant 1 : i32
    %sub3A_239 = arith.subi %convert_element_type3A_208, %sub3A_238 : i32
    %max3A = arith.constant 0 : i32
    %max3A_240 = arith.maxsi %sub3A_239, %max3A : i32
    %jit3A_241 = arith.constant 512 : i32
    %div3A_242 = arith.divsi %max3A_240, %jit3A_241 : i32
    %sign3A_243 = arith.constant 0 : i32
    %sign3A_244 = arith.cmpi sgt, %max3A_240, %sign3A_243 : i32
    %sign3A_245 = arith.extui %sign3A_244 : i1 to i32
    %sign3A_246 = arith.constant 0 : i32
    %sign3A_247 = arith.cmpi slt, %max3A_240, %sign3A_246 : i32
    %sign3A_248 = arith.extui %sign3A_247 : i1 to i32
    %sign3A_249 = arith.subi %sign3A_245, %sign3A_248 : i32
    %sign3A_250 = arith.constant 0 : i32
    %sign3A_251 = arith.cmpi sgt, %jit3A_241, %sign3A_250 : i32
    %sign3A_252 = arith.extui %sign3A_251 : i1 to i32
    %sign3A_253 = arith.constant 0 : i32
    %sign3A_254 = arith.cmpi slt, %jit3A_241, %sign3A_253 : i32
    %sign3A_255 = arith.extui %sign3A_254 : i1 to i32
    %sign3A_256 = arith.subi %sign3A_252, %sign3A_255 : i32
    %ne3A_257 = arith.cmpi ne, %sign3A_249, %sign3A_256 : i32
    %rem3A_258 = arith.remsi %max3A_240, %jit3A_241 : i32
    %ne3A_259 = arith.constant 0 : i32
    %ne3A_260 = arith.cmpi ne, %rem3A_258, %ne3A_259 : i32
    %and3A_261 = arith.andi %ne3A_257, %ne3A_260 : i1
    %sub3A_262 = arith.constant 1 : i32
    %sub3A_263 = arith.subi %div3A_242, %sub3A_262 : i32
    %select_n3A_264 = arith.select %and3A_261, %sub3A_263, %div3A_242 : i32
    %gt3A = arith.constant 0 : i32
    %gt3A_265 = arith.cmpi sgt, %sub3A_218, %gt3A : i32
    %sub3A_266 = arith.subi %select_n3A_264, %min3A_237 : i32
    %add3A_267 = arith.constant 1 : i32
    %add3A_268 = arith.addi %sub3A_266, %add3A_267 : i32
    %jit3A_269 = arith.constant 1 : i32
    %select_n3A_270 = arith.select %gt3A_265, %add3A_268, %jit3A_269 : i32
    %add3A_271 = arith.constant 0 : i32
    %add3A_272 = arith.addi %add3A_271, %select_n3A_270 : i32
    %sub3A_273 = arith.subi %convert_element_type3A_209, %convert_element_type3A_208 : i32
    %jit3A_274 = arith.constant 512 : i32
    %div3A_275 = arith.divsi %convert_element_type3A_208, %jit3A_274 : i32
    %sign3A_276 = arith.constant 0 : i32
    %sign3A_277 = arith.cmpi sgt, %convert_element_type3A_208, %sign3A_276 : i32
    %sign3A_278 = arith.extui %sign3A_277 : i1 to i32
    %sign3A_279 = arith.constant 0 : i32
    %sign3A_280 = arith.cmpi slt, %convert_element_type3A_208, %sign3A_279 : i32
    %sign3A_281 = arith.extui %sign3A_280 : i1 to i32
    %sign3A_282 = arith.subi %sign3A_278, %sign3A_281 : i32
    %sign3A_283 = arith.constant 0 : i32
    %sign3A_284 = arith.cmpi sgt, %jit3A_274, %sign3A_283 : i32
    %sign3A_285 = arith.extui %sign3A_284 : i1 to i32
    %sign3A_286 = arith.constant 0 : i32
    %sign3A_287 = arith.cmpi slt, %jit3A_274, %sign3A_286 : i32
    %sign3A_288 = arith.extui %sign3A_287 : i1 to i32
    %sign3A_289 = arith.subi %sign3A_285, %sign3A_288 : i32
    %ne3A_290 = arith.cmpi ne, %sign3A_282, %sign3A_289 : i32
    %rem3A_291 = arith.remsi %convert_element_type3A_208, %jit3A_274 : i32
    %ne3A_292 = arith.constant 0 : i32
    %ne3A_293 = arith.cmpi ne, %rem3A_291, %ne3A_292 : i32
    %and3A_294 = arith.andi %ne3A_290, %ne3A_293 : i1
    %sub3A_295 = arith.constant 1 : i32
    %sub3A_296 = arith.subi %div3A_275, %sub3A_295 : i32
    %select_n3A_297 = arith.select %and3A_294, %sub3A_296, %div3A_275 : i32
    %min3A_298 = arith.constant 7 : i32
    %min3A_299 = arith.minsi %select_n3A_297, %min3A_298 : i32
    %sub3A_300 = arith.constant 1 : i32
    %sub3A_301 = arith.subi %convert_element_type3A_209, %sub3A_300 : i32
    %max3A_302 = arith.constant 0 : i32
    %max3A_303 = arith.maxsi %sub3A_301, %max3A_302 : i32
    %jit3A_304 = arith.constant 512 : i32
    %div3A_305 = arith.divsi %max3A_303, %jit3A_304 : i32
    %sign3A_306 = arith.constant 0 : i32
    %sign3A_307 = arith.cmpi sgt, %max3A_303, %sign3A_306 : i32
    %sign3A_308 = arith.extui %sign3A_307 : i1 to i32
    %sign3A_309 = arith.constant 0 : i32
    %sign3A_310 = arith.cmpi slt, %max3A_303, %sign3A_309 : i32
    %sign3A_311 = arith.extui %sign3A_310 : i1 to i32
    %sign3A_312 = arith.subi %sign3A_308, %sign3A_311 : i32
    %sign3A_313 = arith.constant 0 : i32
    %sign3A_314 = arith.cmpi sgt, %jit3A_304, %sign3A_313 : i32
    %sign3A_315 = arith.extui %sign3A_314 : i1 to i32
    %sign3A_316 = arith.constant 0 : i32
    %sign3A_317 = arith.cmpi slt, %jit3A_304, %sign3A_316 : i32
    %sign3A_318 = arith.extui %sign3A_317 : i1 to i32
    %sign3A_319 = arith.subi %sign3A_315, %sign3A_318 : i32
    %ne3A_320 = arith.cmpi ne, %sign3A_312, %sign3A_319 : i32
    %rem3A_321 = arith.remsi %max3A_303, %jit3A_304 : i32
    %ne3A_322 = arith.constant 0 : i32
    %ne3A_323 = arith.cmpi ne, %rem3A_321, %ne3A_322 : i32
    %and3A_324 = arith.andi %ne3A_320, %ne3A_323 : i1
    %sub3A_325 = arith.constant 1 : i32
    %sub3A_326 = arith.subi %div3A_305, %sub3A_325 : i32
    %select_n3A_327 = arith.select %and3A_324, %sub3A_326, %div3A_305 : i32
    %gt3A_328 = arith.constant 0 : i32
    %gt3A_329 = arith.cmpi sgt, %sub3A_273, %gt3A_328 : i32
    %sub3A_330 = arith.subi %select_n3A_327, %min3A_299 : i32
    %add3A_331 = arith.constant 1 : i32
    %add3A_332 = arith.addi %sub3A_330, %add3A_331 : i32
    %jit3A_333 = arith.constant 1 : i32
    %select_n3A_334 = arith.select %gt3A_329, %add3A_332, %jit3A_333 : i32
    %add3A_335 = arith.addi %add3A_272, %select_n3A_334 : i32
    %sub3A_336 = arith.subi %convert_element_type3A_210, %convert_element_type3A_209 : i32
    %jit3A_337 = arith.constant 512 : i32
    %div3A_338 = arith.divsi %convert_element_type3A_209, %jit3A_337 : i32
    %sign3A_339 = arith.constant 0 : i32
    %sign3A_340 = arith.cmpi sgt, %convert_element_type3A_209, %sign3A_339 : i32
    %sign3A_341 = arith.extui %sign3A_340 : i1 to i32
    %sign3A_342 = arith.constant 0 : i32
    %sign3A_343 = arith.cmpi slt, %convert_element_type3A_209, %sign3A_342 : i32
    %sign3A_344 = arith.extui %sign3A_343 : i1 to i32
    %sign3A_345 = arith.subi %sign3A_341, %sign3A_344 : i32
    %sign3A_346 = arith.constant 0 : i32
    %sign3A_347 = arith.cmpi sgt, %jit3A_337, %sign3A_346 : i32
    %sign3A_348 = arith.extui %sign3A_347 : i1 to i32
    %sign3A_349 = arith.constant 0 : i32
    %sign3A_350 = arith.cmpi slt, %jit3A_337, %sign3A_349 : i32
    %sign3A_351 = arith.extui %sign3A_350 : i1 to i32
    %sign3A_352 = arith.subi %sign3A_348, %sign3A_351 : i32
    %ne3A_353 = arith.cmpi ne, %sign3A_345, %sign3A_352 : i32
    %rem3A_354 = arith.remsi %convert_element_type3A_209, %jit3A_337 : i32
    %ne3A_355 = arith.constant 0 : i32
    %ne3A_356 = arith.cmpi ne, %rem3A_354, %ne3A_355 : i32
    %and3A_357 = arith.andi %ne3A_353, %ne3A_356 : i1
    %sub3A_358 = arith.constant 1 : i32
    %sub3A_359 = arith.subi %div3A_338, %sub3A_358 : i32
    %select_n3A_360 = arith.select %and3A_357, %sub3A_359, %div3A_338 : i32
    %min3A_361 = arith.constant 7 : i32
    %min3A_362 = arith.minsi %select_n3A_360, %min3A_361 : i32
    %sub3A_363 = arith.constant 1 : i32
    %sub3A_364 = arith.subi %convert_element_type3A_210, %sub3A_363 : i32
    %max3A_365 = arith.constant 0 : i32
    %max3A_366 = arith.maxsi %sub3A_364, %max3A_365 : i32
    %jit3A_367 = arith.constant 512 : i32
    %div3A_368 = arith.divsi %max3A_366, %jit3A_367 : i32
    %sign3A_369 = arith.constant 0 : i32
    %sign3A_370 = arith.cmpi sgt, %max3A_366, %sign3A_369 : i32
    %sign3A_371 = arith.extui %sign3A_370 : i1 to i32
    %sign3A_372 = arith.constant 0 : i32
    %sign3A_373 = arith.cmpi slt, %max3A_366, %sign3A_372 : i32
    %sign3A_374 = arith.extui %sign3A_373 : i1 to i32
    %sign3A_375 = arith.subi %sign3A_371, %sign3A_374 : i32
    %sign3A_376 = arith.constant 0 : i32
    %sign3A_377 = arith.cmpi sgt, %jit3A_367, %sign3A_376 : i32
    %sign3A_378 = arith.extui %sign3A_377 : i1 to i32
    %sign3A_379 = arith.constant 0 : i32
    %sign3A_380 = arith.cmpi slt, %jit3A_367, %sign3A_379 : i32
    %sign3A_381 = arith.extui %sign3A_380 : i1 to i32
    %sign3A_382 = arith.subi %sign3A_378, %sign3A_381 : i32
    %ne3A_383 = arith.cmpi ne, %sign3A_375, %sign3A_382 : i32
    %rem3A_384 = arith.remsi %max3A_366, %jit3A_367 : i32
    %ne3A_385 = arith.constant 0 : i32
    %ne3A_386 = arith.cmpi ne, %rem3A_384, %ne3A_385 : i32
    %and3A_387 = arith.andi %ne3A_383, %ne3A_386 : i1
    %sub3A_388 = arith.constant 1 : i32
    %sub3A_389 = arith.subi %div3A_368, %sub3A_388 : i32
    %select_n3A_390 = arith.select %and3A_387, %sub3A_389, %div3A_368 : i32
    %gt3A_391 = arith.constant 0 : i32
    %gt3A_392 = arith.cmpi sgt, %sub3A_336, %gt3A_391 : i32
    %sub3A_393 = arith.subi %select_n3A_390, %min3A_362 : i32
    %add3A_394 = arith.constant 1 : i32
    %add3A_395 = arith.addi %sub3A_393, %add3A_394 : i32
    %jit3A_396 = arith.constant 1 : i32
    %select_n3A_397 = arith.select %gt3A_392, %add3A_395, %jit3A_396 : i32
    %add3A_398 = arith.addi %add3A_335, %select_n3A_397 : i32
    %sub3A_399 = arith.subi %convert_element_type3A_211, %convert_element_type3A_210 : i32
    %jit3A_400 = arith.constant 512 : i32
    %div3A_401 = arith.divsi %convert_element_type3A_210, %jit3A_400 : i32
    %sign3A_402 = arith.constant 0 : i32
    %sign3A_403 = arith.cmpi sgt, %convert_element_type3A_210, %sign3A_402 : i32
    %sign3A_404 = arith.extui %sign3A_403 : i1 to i32
    %sign3A_405 = arith.constant 0 : i32
    %sign3A_406 = arith.cmpi slt, %convert_element_type3A_210, %sign3A_405 : i32
    %sign3A_407 = arith.extui %sign3A_406 : i1 to i32
    %sign3A_408 = arith.subi %sign3A_404, %sign3A_407 : i32
    %sign3A_409 = arith.constant 0 : i32
    %sign3A_410 = arith.cmpi sgt, %jit3A_400, %sign3A_409 : i32
    %sign3A_411 = arith.extui %sign3A_410 : i1 to i32
    %sign3A_412 = arith.constant 0 : i32
    %sign3A_413 = arith.cmpi slt, %jit3A_400, %sign3A_412 : i32
    %sign3A_414 = arith.extui %sign3A_413 : i1 to i32
    %sign3A_415 = arith.subi %sign3A_411, %sign3A_414 : i32
    %ne3A_416 = arith.cmpi ne, %sign3A_408, %sign3A_415 : i32
    %rem3A_417 = arith.remsi %convert_element_type3A_210, %jit3A_400 : i32
    %ne3A_418 = arith.constant 0 : i32
    %ne3A_419 = arith.cmpi ne, %rem3A_417, %ne3A_418 : i32
    %and3A_420 = arith.andi %ne3A_416, %ne3A_419 : i1
    %sub3A_421 = arith.constant 1 : i32
    %sub3A_422 = arith.subi %div3A_401, %sub3A_421 : i32
    %select_n3A_423 = arith.select %and3A_420, %sub3A_422, %div3A_401 : i32
    %min3A_424 = arith.constant 7 : i32
    %min3A_425 = arith.minsi %select_n3A_423, %min3A_424 : i32
    %sub3A_426 = arith.constant 1 : i32
    %sub3A_427 = arith.subi %convert_element_type3A_211, %sub3A_426 : i32
    %max3A_428 = arith.constant 0 : i32
    %max3A_429 = arith.maxsi %sub3A_427, %max3A_428 : i32
    %jit3A_430 = arith.constant 512 : i32
    %div3A_431 = arith.divsi %max3A_429, %jit3A_430 : i32
    %sign3A_432 = arith.constant 0 : i32
    %sign3A_433 = arith.cmpi sgt, %max3A_429, %sign3A_432 : i32
    %sign3A_434 = arith.extui %sign3A_433 : i1 to i32
    %sign3A_435 = arith.constant 0 : i32
    %sign3A_436 = arith.cmpi slt, %max3A_429, %sign3A_435 : i32
    %sign3A_437 = arith.extui %sign3A_436 : i1 to i32
    %sign3A_438 = arith.subi %sign3A_434, %sign3A_437 : i32
    %sign3A_439 = arith.constant 0 : i32
    %sign3A_440 = arith.cmpi sgt, %jit3A_430, %sign3A_439 : i32
    %sign3A_441 = arith.extui %sign3A_440 : i1 to i32
    %sign3A_442 = arith.constant 0 : i32
    %sign3A_443 = arith.cmpi slt, %jit3A_430, %sign3A_442 : i32
    %sign3A_444 = arith.extui %sign3A_443 : i1 to i32
    %sign3A_445 = arith.subi %sign3A_441, %sign3A_444 : i32
    %ne3A_446 = arith.cmpi ne, %sign3A_438, %sign3A_445 : i32
    %rem3A_447 = arith.remsi %max3A_429, %jit3A_430 : i32
    %ne3A_448 = arith.constant 0 : i32
    %ne3A_449 = arith.cmpi ne, %rem3A_447, %ne3A_448 : i32
    %and3A_450 = arith.andi %ne3A_446, %ne3A_449 : i1
    %sub3A_451 = arith.constant 1 : i32
    %sub3A_452 = arith.subi %div3A_431, %sub3A_451 : i32
    %select_n3A_453 = arith.select %and3A_450, %sub3A_452, %div3A_431 : i32
    %gt3A_454 = arith.constant 0 : i32
    %gt3A_455 = arith.cmpi sgt, %sub3A_399, %gt3A_454 : i32
    %sub3A_456 = arith.subi %select_n3A_453, %min3A_425 : i32
    %add3A_457 = arith.constant 1 : i32
    %add3A_458 = arith.addi %sub3A_456, %add3A_457 : i32
    %jit3A_459 = arith.constant 1 : i32
    %select_n3A_460 = arith.select %gt3A_455, %add3A_458, %jit3A_459 : i32
    %add3A_461 = arith.addi %add3A_398, %select_n3A_460 : i32
    %sub3A_462 = arith.subi %convert_element_type3A_212, %convert_element_type3A_211 : i32
    %jit3A_463 = arith.constant 512 : i32
    %div3A_464 = arith.divsi %convert_element_type3A_211, %jit3A_463 : i32
    %sign3A_465 = arith.constant 0 : i32
    %sign3A_466 = arith.cmpi sgt, %convert_element_type3A_211, %sign3A_465 : i32
    %sign3A_467 = arith.extui %sign3A_466 : i1 to i32
    %sign3A_468 = arith.constant 0 : i32
    %sign3A_469 = arith.cmpi slt, %convert_element_type3A_211, %sign3A_468 : i32
    %sign3A_470 = arith.extui %sign3A_469 : i1 to i32
    %sign3A_471 = arith.subi %sign3A_467, %sign3A_470 : i32
    %sign3A_472 = arith.constant 0 : i32
    %sign3A_473 = arith.cmpi sgt, %jit3A_463, %sign3A_472 : i32
    %sign3A_474 = arith.extui %sign3A_473 : i1 to i32
    %sign3A_475 = arith.constant 0 : i32
    %sign3A_476 = arith.cmpi slt, %jit3A_463, %sign3A_475 : i32
    %sign3A_477 = arith.extui %sign3A_476 : i1 to i32
    %sign3A_478 = arith.subi %sign3A_474, %sign3A_477 : i32
    %ne3A_479 = arith.cmpi ne, %sign3A_471, %sign3A_478 : i32
    %rem3A_480 = arith.remsi %convert_element_type3A_211, %jit3A_463 : i32
    %ne3A_481 = arith.constant 0 : i32
    %ne3A_482 = arith.cmpi ne, %rem3A_480, %ne3A_481 : i32
    %and3A_483 = arith.andi %ne3A_479, %ne3A_482 : i1
    %sub3A_484 = arith.constant 1 : i32
    %sub3A_485 = arith.subi %div3A_464, %sub3A_484 : i32
    %select_n3A_486 = arith.select %and3A_483, %sub3A_485, %div3A_464 : i32
    %min3A_487 = arith.constant 7 : i32
    %min3A_488 = arith.minsi %select_n3A_486, %min3A_487 : i32
    %sub3A_489 = arith.constant 1 : i32
    %sub3A_490 = arith.subi %convert_element_type3A_212, %sub3A_489 : i32
    %max3A_491 = arith.constant 0 : i32
    %max3A_492 = arith.maxsi %sub3A_490, %max3A_491 : i32
    %jit3A_493 = arith.constant 512 : i32
    %div3A_494 = arith.divsi %max3A_492, %jit3A_493 : i32
    %sign3A_495 = arith.constant 0 : i32
    %sign3A_496 = arith.cmpi sgt, %max3A_492, %sign3A_495 : i32
    %sign3A_497 = arith.extui %sign3A_496 : i1 to i32
    %sign3A_498 = arith.constant 0 : i32
    %sign3A_499 = arith.cmpi slt, %max3A_492, %sign3A_498 : i32
    %sign3A_500 = arith.extui %sign3A_499 : i1 to i32
    %sign3A_501 = arith.subi %sign3A_497, %sign3A_500 : i32
    %sign3A_502 = arith.constant 0 : i32
    %sign3A_503 = arith.cmpi sgt, %jit3A_493, %sign3A_502 : i32
    %sign3A_504 = arith.extui %sign3A_503 : i1 to i32
    %sign3A_505 = arith.constant 0 : i32
    %sign3A_506 = arith.cmpi slt, %jit3A_493, %sign3A_505 : i32
    %sign3A_507 = arith.extui %sign3A_506 : i1 to i32
    %sign3A_508 = arith.subi %sign3A_504, %sign3A_507 : i32
    %ne3A_509 = arith.cmpi ne, %sign3A_501, %sign3A_508 : i32
    %rem3A_510 = arith.remsi %max3A_492, %jit3A_493 : i32
    %ne3A_511 = arith.constant 0 : i32
    %ne3A_512 = arith.cmpi ne, %rem3A_510, %ne3A_511 : i32
    %and3A_513 = arith.andi %ne3A_509, %ne3A_512 : i1
    %sub3A_514 = arith.constant 1 : i32
    %sub3A_515 = arith.subi %div3A_494, %sub3A_514 : i32
    %select_n3A_516 = arith.select %and3A_513, %sub3A_515, %div3A_494 : i32
    %gt3A_517 = arith.constant 0 : i32
    %gt3A_518 = arith.cmpi sgt, %sub3A_462, %gt3A_517 : i32
    %sub3A_519 = arith.subi %select_n3A_516, %min3A_488 : i32
    %add3A_520 = arith.constant 1 : i32
    %add3A_521 = arith.addi %sub3A_519, %add3A_520 : i32
    %jit3A_522 = arith.constant 1 : i32
    %select_n3A_523 = arith.select %gt3A_518, %add3A_521, %jit3A_522 : i32
    %add3A_524 = arith.addi %add3A_461, %select_n3A_523 : i32
    %sub3A_525 = arith.subi %convert_element_type3A_213, %convert_element_type3A_212 : i32
    %jit3A_526 = arith.constant 512 : i32
    %div3A_527 = arith.divsi %convert_element_type3A_212, %jit3A_526 : i32
    %sign3A_528 = arith.constant 0 : i32
    %sign3A_529 = arith.cmpi sgt, %convert_element_type3A_212, %sign3A_528 : i32
    %sign3A_530 = arith.extui %sign3A_529 : i1 to i32
    %sign3A_531 = arith.constant 0 : i32
    %sign3A_532 = arith.cmpi slt, %convert_element_type3A_212, %sign3A_531 : i32
    %sign3A_533 = arith.extui %sign3A_532 : i1 to i32
    %sign3A_534 = arith.subi %sign3A_530, %sign3A_533 : i32
    %sign3A_535 = arith.constant 0 : i32
    %sign3A_536 = arith.cmpi sgt, %jit3A_526, %sign3A_535 : i32
    %sign3A_537 = arith.extui %sign3A_536 : i1 to i32
    %sign3A_538 = arith.constant 0 : i32
    %sign3A_539 = arith.cmpi slt, %jit3A_526, %sign3A_538 : i32
    %sign3A_540 = arith.extui %sign3A_539 : i1 to i32
    %sign3A_541 = arith.subi %sign3A_537, %sign3A_540 : i32
    %ne3A_542 = arith.cmpi ne, %sign3A_534, %sign3A_541 : i32
    %rem3A_543 = arith.remsi %convert_element_type3A_212, %jit3A_526 : i32
    %ne3A_544 = arith.constant 0 : i32
    %ne3A_545 = arith.cmpi ne, %rem3A_543, %ne3A_544 : i32
    %and3A_546 = arith.andi %ne3A_542, %ne3A_545 : i1
    %sub3A_547 = arith.constant 1 : i32
    %sub3A_548 = arith.subi %div3A_527, %sub3A_547 : i32
    %select_n3A_549 = arith.select %and3A_546, %sub3A_548, %div3A_527 : i32
    %min3A_550 = arith.constant 7 : i32
    %min3A_551 = arith.minsi %select_n3A_549, %min3A_550 : i32
    %sub3A_552 = arith.constant 1 : i32
    %sub3A_553 = arith.subi %convert_element_type3A_213, %sub3A_552 : i32
    %max3A_554 = arith.constant 0 : i32
    %max3A_555 = arith.maxsi %sub3A_553, %max3A_554 : i32
    %jit3A_556 = arith.constant 512 : i32
    %div3A_557 = arith.divsi %max3A_555, %jit3A_556 : i32
    %sign3A_558 = arith.constant 0 : i32
    %sign3A_559 = arith.cmpi sgt, %max3A_555, %sign3A_558 : i32
    %sign3A_560 = arith.extui %sign3A_559 : i1 to i32
    %sign3A_561 = arith.constant 0 : i32
    %sign3A_562 = arith.cmpi slt, %max3A_555, %sign3A_561 : i32
    %sign3A_563 = arith.extui %sign3A_562 : i1 to i32
    %sign3A_564 = arith.subi %sign3A_560, %sign3A_563 : i32
    %sign3A_565 = arith.constant 0 : i32
    %sign3A_566 = arith.cmpi sgt, %jit3A_556, %sign3A_565 : i32
    %sign3A_567 = arith.extui %sign3A_566 : i1 to i32
    %sign3A_568 = arith.constant 0 : i32
    %sign3A_569 = arith.cmpi slt, %jit3A_556, %sign3A_568 : i32
    %sign3A_570 = arith.extui %sign3A_569 : i1 to i32
    %sign3A_571 = arith.subi %sign3A_567, %sign3A_570 : i32
    %ne3A_572 = arith.cmpi ne, %sign3A_564, %sign3A_571 : i32
    %rem3A_573 = arith.remsi %max3A_555, %jit3A_556 : i32
    %ne3A_574 = arith.constant 0 : i32
    %ne3A_575 = arith.cmpi ne, %rem3A_573, %ne3A_574 : i32
    %and3A_576 = arith.andi %ne3A_572, %ne3A_575 : i1
    %sub3A_577 = arith.constant 1 : i32
    %sub3A_578 = arith.subi %div3A_557, %sub3A_577 : i32
    %select_n3A_579 = arith.select %and3A_576, %sub3A_578, %div3A_557 : i32
    %gt3A_580 = arith.constant 0 : i32
    %gt3A_581 = arith.cmpi sgt, %sub3A_525, %gt3A_580 : i32
    %sub3A_582 = arith.subi %select_n3A_579, %min3A_551 : i32
    %add3A_583 = arith.constant 1 : i32
    %add3A_584 = arith.addi %sub3A_582, %add3A_583 : i32
    %jit3A_585 = arith.constant 1 : i32
    %select_n3A_586 = arith.select %gt3A_581, %add3A_584, %jit3A_585 : i32
    %add3A_587 = arith.addi %add3A_524, %select_n3A_586 : i32
    %sub3A_588 = arith.subi %convert_element_type3A_214, %convert_element_type3A_213 : i32
    %jit3A_589 = arith.constant 512 : i32
    %div3A_590 = arith.divsi %convert_element_type3A_213, %jit3A_589 : i32
    %sign3A_591 = arith.constant 0 : i32
    %sign3A_592 = arith.cmpi sgt, %convert_element_type3A_213, %sign3A_591 : i32
    %sign3A_593 = arith.extui %sign3A_592 : i1 to i32
    %sign3A_594 = arith.constant 0 : i32
    %sign3A_595 = arith.cmpi slt, %convert_element_type3A_213, %sign3A_594 : i32
    %sign3A_596 = arith.extui %sign3A_595 : i1 to i32
    %sign3A_597 = arith.subi %sign3A_593, %sign3A_596 : i32
    %sign3A_598 = arith.constant 0 : i32
    %sign3A_599 = arith.cmpi sgt, %jit3A_589, %sign3A_598 : i32
    %sign3A_600 = arith.extui %sign3A_599 : i1 to i32
    %sign3A_601 = arith.constant 0 : i32
    %sign3A_602 = arith.cmpi slt, %jit3A_589, %sign3A_601 : i32
    %sign3A_603 = arith.extui %sign3A_602 : i1 to i32
    %sign3A_604 = arith.subi %sign3A_600, %sign3A_603 : i32
    %ne3A_605 = arith.cmpi ne, %sign3A_597, %sign3A_604 : i32
    %rem3A_606 = arith.remsi %convert_element_type3A_213, %jit3A_589 : i32
    %ne3A_607 = arith.constant 0 : i32
    %ne3A_608 = arith.cmpi ne, %rem3A_606, %ne3A_607 : i32
    %and3A_609 = arith.andi %ne3A_605, %ne3A_608 : i1
    %sub3A_610 = arith.constant 1 : i32
    %sub3A_611 = arith.subi %div3A_590, %sub3A_610 : i32
    %select_n3A_612 = arith.select %and3A_609, %sub3A_611, %div3A_590 : i32
    %min3A_613 = arith.constant 7 : i32
    %min3A_614 = arith.minsi %select_n3A_612, %min3A_613 : i32
    %sub3A_615 = arith.constant 1 : i32
    %sub3A_616 = arith.subi %convert_element_type3A_214, %sub3A_615 : i32
    %max3A_617 = arith.constant 0 : i32
    %max3A_618 = arith.maxsi %sub3A_616, %max3A_617 : i32
    %jit3A_619 = arith.constant 512 : i32
    %div3A_620 = arith.divsi %max3A_618, %jit3A_619 : i32
    %sign3A_621 = arith.constant 0 : i32
    %sign3A_622 = arith.cmpi sgt, %max3A_618, %sign3A_621 : i32
    %sign3A_623 = arith.extui %sign3A_622 : i1 to i32
    %sign3A_624 = arith.constant 0 : i32
    %sign3A_625 = arith.cmpi slt, %max3A_618, %sign3A_624 : i32
    %sign3A_626 = arith.extui %sign3A_625 : i1 to i32
    %sign3A_627 = arith.subi %sign3A_623, %sign3A_626 : i32
    %sign3A_628 = arith.constant 0 : i32
    %sign3A_629 = arith.cmpi sgt, %jit3A_619, %sign3A_628 : i32
    %sign3A_630 = arith.extui %sign3A_629 : i1 to i32
    %sign3A_631 = arith.constant 0 : i32
    %sign3A_632 = arith.cmpi slt, %jit3A_619, %sign3A_631 : i32
    %sign3A_633 = arith.extui %sign3A_632 : i1 to i32
    %sign3A_634 = arith.subi %sign3A_630, %sign3A_633 : i32
    %ne3A_635 = arith.cmpi ne, %sign3A_627, %sign3A_634 : i32
    %rem3A_636 = arith.remsi %max3A_618, %jit3A_619 : i32
    %ne3A_637 = arith.constant 0 : i32
    %ne3A_638 = arith.cmpi ne, %rem3A_636, %ne3A_637 : i32
    %and3A_639 = arith.andi %ne3A_635, %ne3A_638 : i1
    %sub3A_640 = arith.constant 1 : i32
    %sub3A_641 = arith.subi %div3A_620, %sub3A_640 : i32
    %select_n3A_642 = arith.select %and3A_639, %sub3A_641, %div3A_620 : i32
    %gt3A_643 = arith.constant 0 : i32
    %gt3A_644 = arith.cmpi sgt, %sub3A_588, %gt3A_643 : i32
    %sub3A_645 = arith.subi %select_n3A_642, %min3A_614 : i32
    %add3A_646 = arith.constant 1 : i32
    %add3A_647 = arith.addi %sub3A_645, %add3A_646 : i32
    %jit3A_648 = arith.constant 1 : i32
    %select_n3A_649 = arith.select %gt3A_644, %add3A_647, %jit3A_648 : i32
    %add3A_650 = arith.addi %add3A_587, %select_n3A_649 : i32
    %sub3A_651 = arith.subi %convert_element_type3A_215, %convert_element_type3A_214 : i32
    %jit3A_652 = arith.constant 512 : i32
    %div3A_653 = arith.divsi %convert_element_type3A_214, %jit3A_652 : i32
    %sign3A_654 = arith.constant 0 : i32
    %sign3A_655 = arith.cmpi sgt, %convert_element_type3A_214, %sign3A_654 : i32
    %sign3A_656 = arith.extui %sign3A_655 : i1 to i32
    %sign3A_657 = arith.constant 0 : i32
    %sign3A_658 = arith.cmpi slt, %convert_element_type3A_214, %sign3A_657 : i32
    %sign3A_659 = arith.extui %sign3A_658 : i1 to i32
    %sign3A_660 = arith.subi %sign3A_656, %sign3A_659 : i32
    %sign3A_661 = arith.constant 0 : i32
    %sign3A_662 = arith.cmpi sgt, %jit3A_652, %sign3A_661 : i32
    %sign3A_663 = arith.extui %sign3A_662 : i1 to i32
    %sign3A_664 = arith.constant 0 : i32
    %sign3A_665 = arith.cmpi slt, %jit3A_652, %sign3A_664 : i32
    %sign3A_666 = arith.extui %sign3A_665 : i1 to i32
    %sign3A_667 = arith.subi %sign3A_663, %sign3A_666 : i32
    %ne3A_668 = arith.cmpi ne, %sign3A_660, %sign3A_667 : i32
    %rem3A_669 = arith.remsi %convert_element_type3A_214, %jit3A_652 : i32
    %ne3A_670 = arith.constant 0 : i32
    %ne3A_671 = arith.cmpi ne, %rem3A_669, %ne3A_670 : i32
    %and3A_672 = arith.andi %ne3A_668, %ne3A_671 : i1
    %sub3A_673 = arith.constant 1 : i32
    %sub3A_674 = arith.subi %div3A_653, %sub3A_673 : i32
    %select_n3A_675 = arith.select %and3A_672, %sub3A_674, %div3A_653 : i32
    %min3A_676 = arith.constant 7 : i32
    %min3A_677 = arith.minsi %select_n3A_675, %min3A_676 : i32
    %sub3A_678 = arith.constant 1 : i32
    %sub3A_679 = arith.subi %convert_element_type3A_215, %sub3A_678 : i32
    %max3A_680 = arith.constant 0 : i32
    %max3A_681 = arith.maxsi %sub3A_679, %max3A_680 : i32
    %jit3A_682 = arith.constant 512 : i32
    %div3A_683 = arith.divsi %max3A_681, %jit3A_682 : i32
    %sign3A_684 = arith.constant 0 : i32
    %sign3A_685 = arith.cmpi sgt, %max3A_681, %sign3A_684 : i32
    %sign3A_686 = arith.extui %sign3A_685 : i1 to i32
    %sign3A_687 = arith.constant 0 : i32
    %sign3A_688 = arith.cmpi slt, %max3A_681, %sign3A_687 : i32
    %sign3A_689 = arith.extui %sign3A_688 : i1 to i32
    %sign3A_690 = arith.subi %sign3A_686, %sign3A_689 : i32
    %sign3A_691 = arith.constant 0 : i32
    %sign3A_692 = arith.cmpi sgt, %jit3A_682, %sign3A_691 : i32
    %sign3A_693 = arith.extui %sign3A_692 : i1 to i32
    %sign3A_694 = arith.constant 0 : i32
    %sign3A_695 = arith.cmpi slt, %jit3A_682, %sign3A_694 : i32
    %sign3A_696 = arith.extui %sign3A_695 : i1 to i32
    %sign3A_697 = arith.subi %sign3A_693, %sign3A_696 : i32
    %ne3A_698 = arith.cmpi ne, %sign3A_690, %sign3A_697 : i32
    %rem3A_699 = arith.remsi %max3A_681, %jit3A_682 : i32
    %ne3A_700 = arith.constant 0 : i32
    %ne3A_701 = arith.cmpi ne, %rem3A_699, %ne3A_700 : i32
    %and3A_702 = arith.andi %ne3A_698, %ne3A_701 : i1
    %sub3A_703 = arith.constant 1 : i32
    %sub3A_704 = arith.subi %div3A_683, %sub3A_703 : i32
    %select_n3A_705 = arith.select %and3A_702, %sub3A_704, %div3A_683 : i32
    %gt3A_706 = arith.constant 0 : i32
    %gt3A_707 = arith.cmpi sgt, %sub3A_651, %gt3A_706 : i32
    %sub3A_708 = arith.subi %select_n3A_705, %min3A_677 : i32
    %add3A_709 = arith.constant 1 : i32
    %add3A_710 = arith.addi %sub3A_708, %add3A_709 : i32
    %jit3A_711 = arith.constant 1 : i32
    %select_n3A_712 = arith.select %gt3A_707, %add3A_710, %jit3A_711 : i32
    %add3A_713 = arith.addi %add3A_650, %select_n3A_712 : i32
    %sub3A_714 = arith.constant 1 : i32
    %sub3A_715 = arith.subi %add3A_713, %sub3A_714 : i32
    %min3A_716 = vector.broadcast %sub3A_715 : i32 to vector<1x128xi32>
    %min3A_717 = arith.minsi %iota3A_216, %min3A_716 : vector<1x128xi32>
    %broadcast_in_dim3A_718 = arith.constant 0 : i32
    %broadcast_in_dim3A_719 = vector.broadcast %broadcast_in_dim3A_718 : i32 to vector<1x128xi32>
    %le3A_720 = arith.constant 0 : i32
    %le3A_721 = vector.broadcast %le3A_720 : i32 to vector<1x128xi32>
    %le3A_722 = arith.cmpi sle, %le3A_721, %min3A_717 : vector<1x128xi32>
    %convert_element_type3A_723 = arith.extui %le3A_722 : vector<1x128xi1> to vector<1x128xi32>
    %add3A_724 = arith.addi %broadcast_in_dim3A_719, %convert_element_type3A_723 : vector<1x128xi32>
    %le3A_725 = vector.broadcast %add3A_272 : i32 to vector<1x128xi32>
    %le3A_726 = arith.cmpi sle, %le3A_725, %min3A_717 : vector<1x128xi32>
    %convert_element_type3A_727 = arith.extui %le3A_726 : vector<1x128xi1> to vector<1x128xi32>
    %add3A_728 = arith.addi %add3A_724, %convert_element_type3A_727 : vector<1x128xi32>
    %le3A_729 = vector.broadcast %add3A_335 : i32 to vector<1x128xi32>
    %le3A_730 = arith.cmpi sle, %le3A_729, %min3A_717 : vector<1x128xi32>
    %convert_element_type3A_731 = arith.extui %le3A_730 : vector<1x128xi1> to vector<1x128xi32>
    %add3A_732 = arith.addi %add3A_728, %convert_element_type3A_731 : vector<1x128xi32>
    %le3A_733 = vector.broadcast %add3A_398 : i32 to vector<1x128xi32>
    %le3A_734 = arith.cmpi sle, %le3A_733, %min3A_717 : vector<1x128xi32>
    %convert_element_type3A_735 = arith.extui %le3A_734 : vector<1x128xi1> to vector<1x128xi32>
    %add3A_736 = arith.addi %add3A_732, %convert_element_type3A_735 : vector<1x128xi32>
    %le3A_737 = vector.broadcast %add3A_461 : i32 to vector<1x128xi32>
    %le3A_738 = arith.cmpi sle, %le3A_737, %min3A_717 : vector<1x128xi32>
    %convert_element_type3A_739 = arith.extui %le3A_738 : vector<1x128xi1> to vector<1x128xi32>
    %add3A_740 = arith.addi %add3A_736, %convert_element_type3A_739 : vector<1x128xi32>
    %le3A_741 = vector.broadcast %add3A_524 : i32 to vector<1x128xi32>
    %le3A_742 = arith.cmpi sle, %le3A_741, %min3A_717 : vector<1x128xi32>
    %convert_element_type3A_743 = arith.extui %le3A_742 : vector<1x128xi1> to vector<1x128xi32>
    %add3A_744 = arith.addi %add3A_740, %convert_element_type3A_743 : vector<1x128xi32>
    %le3A_745 = vector.broadcast %add3A_587 : i32 to vector<1x128xi32>
    %le3A_746 = arith.cmpi sle, %le3A_745, %min3A_717 : vector<1x128xi32>
    %convert_element_type3A_747 = arith.extui %le3A_746 : vector<1x128xi1> to vector<1x128xi32>
    %add3A_748 = arith.addi %add3A_744, %convert_element_type3A_747 : vector<1x128xi32>
    %le3A_749 = vector.broadcast %add3A_650 : i32 to vector<1x128xi32>
    %le3A_750 = arith.cmpi sle, %le3A_749, %min3A_717 : vector<1x128xi32>
    %convert_element_type3A_751 = arith.extui %le3A_750 : vector<1x128xi1> to vector<1x128xi32>
    %add3A_752 = arith.addi %add3A_748, %convert_element_type3A_751 : vector<1x128xi32>
    %sub3A_753 = arith.constant 1 : i32
    %sub3A_754 = vector.broadcast %sub3A_753 : i32 to vector<1x128xi32>
    %sub3A_755 = arith.subi %add3A_752, %sub3A_754 : vector<1x128xi32>
    %broadcast_in_dim3A_756 = arith.constant 0 : i32
    %broadcast_in_dim3A_757 = vector.broadcast %broadcast_in_dim3A_756 : i32 to vector<1x128xi32>
    %broadcast_in_dim3A_758 = arith.constant 0 : i32
    %broadcast_in_dim3A_759 = vector.broadcast %broadcast_in_dim3A_758 : i32 to vector<1x128xi32>
    %broadcast_in_dim3A_760 = arith.constant 0 : i32
    %broadcast_in_dim3A_761 = vector.broadcast %broadcast_in_dim3A_760 : i32 to vector<1x128xi32>
    %eq3A_762 = arith.constant 0 : i32
    %eq3A_763 = vector.broadcast %eq3A_762 : i32 to vector<1x128xi32>
    %eq3A_764 = arith.cmpi eq, %sub3A_755, %eq3A_763 : vector<1x128xi32>
    %sub3A_765 = arith.constant 0 : i32
    %sub3A_766 = vector.broadcast %sub3A_765 : i32 to vector<1x128xi32>
    %sub3A_767 = arith.subi %min3A_717, %sub3A_766 : vector<1x128xi32>
    %add3A_768 = vector.broadcast %min3A_237 : i32 to vector<1x128xi32>
    %add3A_769 = arith.addi %add3A_768, %sub3A_767 : vector<1x128xi32>
    %select_n3A_770 = arith.select %eq3A_764, %add3A_769, %broadcast_in_dim3A_757 : vector<1x128xi1>, vector<1x128xi32>
    %mul3A_771 = arith.constant 512 : i32
    %mul3A_772 = vector.broadcast %mul3A_771 : i32 to vector<1x128xi32>
    %mul3A_773 = arith.muli %add3A_769, %mul3A_772 : vector<1x128xi32>
    %max3A_774 = arith.constant 0 : i32
    %max3A_775 = vector.broadcast %max3A_774 : i32 to vector<1x128xi32>
    %max3A_776 = arith.maxsi %max3A_775, %mul3A_773 : vector<1x128xi32>
    %select_n3A_777 = arith.select %eq3A_764, %max3A_776, %broadcast_in_dim3A_759 : vector<1x128xi1>, vector<1x128xi32>
    %add3A_778 = arith.constant 1 : i32
    %add3A_779 = vector.broadcast %add3A_778 : i32 to vector<1x128xi32>
    %add3A_780 = arith.addi %add3A_769, %add3A_779 : vector<1x128xi32>
    %mul3A_781 = arith.constant 512 : i32
    %mul3A_782 = vector.broadcast %mul3A_781 : i32 to vector<1x128xi32>
    %mul3A_783 = arith.muli %add3A_780, %mul3A_782 : vector<1x128xi32>
    %min3A_784 = vector.broadcast %convert_element_type3A_208 : i32 to vector<1x128xi32>
    %min3A_785 = arith.minsi %min3A_784, %mul3A_783 : vector<1x128xi32>
    %select_n3A_786 = arith.select %eq3A_764, %min3A_785, %broadcast_in_dim3A_761 : vector<1x128xi1>, vector<1x128xi32>
    %eq3A_787 = arith.constant 1 : i32
    %eq3A_788 = vector.broadcast %eq3A_787 : i32 to vector<1x128xi32>
    %eq3A_789 = arith.cmpi eq, %sub3A_755, %eq3A_788 : vector<1x128xi32>
    %sub3A_790 = vector.broadcast %add3A_272 : i32 to vector<1x128xi32>
    %sub3A_791 = arith.subi %min3A_717, %sub3A_790 : vector<1x128xi32>
    %add3A_792 = vector.broadcast %min3A_299 : i32 to vector<1x128xi32>
    %add3A_793 = arith.addi %add3A_792, %sub3A_791 : vector<1x128xi32>
    %select_n3A_794 = arith.select %eq3A_789, %add3A_793, %select_n3A_770 : vector<1x128xi1>, vector<1x128xi32>
    %mul3A_795 = arith.constant 512 : i32
    %mul3A_796 = vector.broadcast %mul3A_795 : i32 to vector<1x128xi32>
    %mul3A_797 = arith.muli %add3A_793, %mul3A_796 : vector<1x128xi32>
    %max3A_798 = vector.broadcast %convert_element_type3A_208 : i32 to vector<1x128xi32>
    %max3A_799 = arith.maxsi %max3A_798, %mul3A_797 : vector<1x128xi32>
    %select_n3A_800 = arith.select %eq3A_789, %max3A_799, %select_n3A_777 : vector<1x128xi1>, vector<1x128xi32>
    %add3A_801 = arith.constant 1 : i32
    %add3A_802 = vector.broadcast %add3A_801 : i32 to vector<1x128xi32>
    %add3A_803 = arith.addi %add3A_793, %add3A_802 : vector<1x128xi32>
    %mul3A_804 = arith.constant 512 : i32
    %mul3A_805 = vector.broadcast %mul3A_804 : i32 to vector<1x128xi32>
    %mul3A_806 = arith.muli %add3A_803, %mul3A_805 : vector<1x128xi32>
    %min3A_807 = vector.broadcast %convert_element_type3A_209 : i32 to vector<1x128xi32>
    %min3A_808 = arith.minsi %min3A_807, %mul3A_806 : vector<1x128xi32>
    %select_n3A_809 = arith.select %eq3A_789, %min3A_808, %select_n3A_786 : vector<1x128xi1>, vector<1x128xi32>
    %eq3A_810 = arith.constant 2 : i32
    %eq3A_811 = vector.broadcast %eq3A_810 : i32 to vector<1x128xi32>
    %eq3A_812 = arith.cmpi eq, %sub3A_755, %eq3A_811 : vector<1x128xi32>
    %sub3A_813 = vector.broadcast %add3A_335 : i32 to vector<1x128xi32>
    %sub3A_814 = arith.subi %min3A_717, %sub3A_813 : vector<1x128xi32>
    %add3A_815 = vector.broadcast %min3A_362 : i32 to vector<1x128xi32>
    %add3A_816 = arith.addi %add3A_815, %sub3A_814 : vector<1x128xi32>
    %select_n3A_817 = arith.select %eq3A_812, %add3A_816, %select_n3A_794 : vector<1x128xi1>, vector<1x128xi32>
    %mul3A_818 = arith.constant 512 : i32
    %mul3A_819 = vector.broadcast %mul3A_818 : i32 to vector<1x128xi32>
    %mul3A_820 = arith.muli %add3A_816, %mul3A_819 : vector<1x128xi32>
    %max3A_821 = vector.broadcast %convert_element_type3A_209 : i32 to vector<1x128xi32>
    %max3A_822 = arith.maxsi %max3A_821, %mul3A_820 : vector<1x128xi32>
    %select_n3A_823 = arith.select %eq3A_812, %max3A_822, %select_n3A_800 : vector<1x128xi1>, vector<1x128xi32>
    %add3A_824 = arith.constant 1 : i32
    %add3A_825 = vector.broadcast %add3A_824 : i32 to vector<1x128xi32>
    %add3A_826 = arith.addi %add3A_816, %add3A_825 : vector<1x128xi32>
    %mul3A_827 = arith.constant 512 : i32
    %mul3A_828 = vector.broadcast %mul3A_827 : i32 to vector<1x128xi32>
    %mul3A_829 = arith.muli %add3A_826, %mul3A_828 : vector<1x128xi32>
    %min3A_830 = vector.broadcast %convert_element_type3A_210 : i32 to vector<1x128xi32>
    %min3A_831 = arith.minsi %min3A_830, %mul3A_829 : vector<1x128xi32>
    %select_n3A_832 = arith.select %eq3A_812, %min3A_831, %select_n3A_809 : vector<1x128xi1>, vector<1x128xi32>
    %eq3A_833 = arith.constant 3 : i32
    %eq3A_834 = vector.broadcast %eq3A_833 : i32 to vector<1x128xi32>
    %eq3A_835 = arith.cmpi eq, %sub3A_755, %eq3A_834 : vector<1x128xi32>
    %sub3A_836 = vector.broadcast %add3A_398 : i32 to vector<1x128xi32>
    %sub3A_837 = arith.subi %min3A_717, %sub3A_836 : vector<1x128xi32>
    %add3A_838 = vector.broadcast %min3A_425 : i32 to vector<1x128xi32>
    %add3A_839 = arith.addi %add3A_838, %sub3A_837 : vector<1x128xi32>
    %select_n3A_840 = arith.select %eq3A_835, %add3A_839, %select_n3A_817 : vector<1x128xi1>, vector<1x128xi32>
    %mul3A_841 = arith.constant 512 : i32
    %mul3A_842 = vector.broadcast %mul3A_841 : i32 to vector<1x128xi32>
    %mul3A_843 = arith.muli %add3A_839, %mul3A_842 : vector<1x128xi32>
    %max3A_844 = vector.broadcast %convert_element_type3A_210 : i32 to vector<1x128xi32>
    %max3A_845 = arith.maxsi %max3A_844, %mul3A_843 : vector<1x128xi32>
    %select_n3A_846 = arith.select %eq3A_835, %max3A_845, %select_n3A_823 : vector<1x128xi1>, vector<1x128xi32>
    %add3A_847 = arith.constant 1 : i32
    %add3A_848 = vector.broadcast %add3A_847 : i32 to vector<1x128xi32>
    %add3A_849 = arith.addi %add3A_839, %add3A_848 : vector<1x128xi32>
    %mul3A_850 = arith.constant 512 : i32
    %mul3A_851 = vector.broadcast %mul3A_850 : i32 to vector<1x128xi32>
    %mul3A_852 = arith.muli %add3A_849, %mul3A_851 : vector<1x128xi32>
    %min3A_853 = vector.broadcast %convert_element_type3A_211 : i32 to vector<1x128xi32>
    %min3A_854 = arith.minsi %min3A_853, %mul3A_852 : vector<1x128xi32>
    %select_n3A_855 = arith.select %eq3A_835, %min3A_854, %select_n3A_832 : vector<1x128xi1>, vector<1x128xi32>
    %eq3A_856 = arith.constant 4 : i32
    %eq3A_857 = vector.broadcast %eq3A_856 : i32 to vector<1x128xi32>
    %eq3A_858 = arith.cmpi eq, %sub3A_755, %eq3A_857 : vector<1x128xi32>
    %sub3A_859 = vector.broadcast %add3A_461 : i32 to vector<1x128xi32>
    %sub3A_860 = arith.subi %min3A_717, %sub3A_859 : vector<1x128xi32>
    %add3A_861 = vector.broadcast %min3A_488 : i32 to vector<1x128xi32>
    %add3A_862 = arith.addi %add3A_861, %sub3A_860 : vector<1x128xi32>
    %select_n3A_863 = arith.select %eq3A_858, %add3A_862, %select_n3A_840 : vector<1x128xi1>, vector<1x128xi32>
    %mul3A_864 = arith.constant 512 : i32
    %mul3A_865 = vector.broadcast %mul3A_864 : i32 to vector<1x128xi32>
    %mul3A_866 = arith.muli %add3A_862, %mul3A_865 : vector<1x128xi32>
    %max3A_867 = vector.broadcast %convert_element_type3A_211 : i32 to vector<1x128xi32>
    %max3A_868 = arith.maxsi %max3A_867, %mul3A_866 : vector<1x128xi32>
    %select_n3A_869 = arith.select %eq3A_858, %max3A_868, %select_n3A_846 : vector<1x128xi1>, vector<1x128xi32>
    %add3A_870 = arith.constant 1 : i32
    %add3A_871 = vector.broadcast %add3A_870 : i32 to vector<1x128xi32>
    %add3A_872 = arith.addi %add3A_862, %add3A_871 : vector<1x128xi32>
    %mul3A_873 = arith.constant 512 : i32
    %mul3A_874 = vector.broadcast %mul3A_873 : i32 to vector<1x128xi32>
    %mul3A_875 = arith.muli %add3A_872, %mul3A_874 : vector<1x128xi32>
    %min3A_876 = vector.broadcast %convert_element_type3A_212 : i32 to vector<1x128xi32>
    %min3A_877 = arith.minsi %min3A_876, %mul3A_875 : vector<1x128xi32>
    %select_n3A_878 = arith.select %eq3A_858, %min3A_877, %select_n3A_855 : vector<1x128xi1>, vector<1x128xi32>
    %eq3A_879 = arith.constant 5 : i32
    %eq3A_880 = vector.broadcast %eq3A_879 : i32 to vector<1x128xi32>
    %eq3A_881 = arith.cmpi eq, %sub3A_755, %eq3A_880 : vector<1x128xi32>
    %sub3A_882 = vector.broadcast %add3A_524 : i32 to vector<1x128xi32>
    %sub3A_883 = arith.subi %min3A_717, %sub3A_882 : vector<1x128xi32>
    %add3A_884 = vector.broadcast %min3A_551 : i32 to vector<1x128xi32>
    %add3A_885 = arith.addi %add3A_884, %sub3A_883 : vector<1x128xi32>
    %select_n3A_886 = arith.select %eq3A_881, %add3A_885, %select_n3A_863 : vector<1x128xi1>, vector<1x128xi32>
    %mul3A_887 = arith.constant 512 : i32
    %mul3A_888 = vector.broadcast %mul3A_887 : i32 to vector<1x128xi32>
    %mul3A_889 = arith.muli %add3A_885, %mul3A_888 : vector<1x128xi32>
    %max3A_890 = vector.broadcast %convert_element_type3A_212 : i32 to vector<1x128xi32>
    %max3A_891 = arith.maxsi %max3A_890, %mul3A_889 : vector<1x128xi32>
    %select_n3A_892 = arith.select %eq3A_881, %max3A_891, %select_n3A_869 : vector<1x128xi1>, vector<1x128xi32>
    %add3A_893 = arith.constant 1 : i32
    %add3A_894 = vector.broadcast %add3A_893 : i32 to vector<1x128xi32>
    %add3A_895 = arith.addi %add3A_885, %add3A_894 : vector<1x128xi32>
    %mul3A_896 = arith.constant 512 : i32
    %mul3A_897 = vector.broadcast %mul3A_896 : i32 to vector<1x128xi32>
    %mul3A_898 = arith.muli %add3A_895, %mul3A_897 : vector<1x128xi32>
    %min3A_899 = vector.broadcast %convert_element_type3A_213 : i32 to vector<1x128xi32>
    %min3A_900 = arith.minsi %min3A_899, %mul3A_898 : vector<1x128xi32>
    %select_n3A_901 = arith.select %eq3A_881, %min3A_900, %select_n3A_878 : vector<1x128xi1>, vector<1x128xi32>
    %eq3A_902 = arith.constant 6 : i32
    %eq3A_903 = vector.broadcast %eq3A_902 : i32 to vector<1x128xi32>
    %eq3A_904 = arith.cmpi eq, %sub3A_755, %eq3A_903 : vector<1x128xi32>
    %sub3A_905 = vector.broadcast %add3A_587 : i32 to vector<1x128xi32>
    %sub3A_906 = arith.subi %min3A_717, %sub3A_905 : vector<1x128xi32>
    %add3A_907 = vector.broadcast %min3A_614 : i32 to vector<1x128xi32>
    %add3A_908 = arith.addi %add3A_907, %sub3A_906 : vector<1x128xi32>
    %select_n3A_909 = arith.select %eq3A_904, %add3A_908, %select_n3A_886 : vector<1x128xi1>, vector<1x128xi32>
    %mul3A_910 = arith.constant 512 : i32
    %mul3A_911 = vector.broadcast %mul3A_910 : i32 to vector<1x128xi32>
    %mul3A_912 = arith.muli %add3A_908, %mul3A_911 : vector<1x128xi32>
    %max3A_913 = vector.broadcast %convert_element_type3A_213 : i32 to vector<1x128xi32>
    %max3A_914 = arith.maxsi %max3A_913, %mul3A_912 : vector<1x128xi32>
    %select_n3A_915 = arith.select %eq3A_904, %max3A_914, %select_n3A_892 : vector<1x128xi1>, vector<1x128xi32>
    %add3A_916 = arith.constant 1 : i32
    %add3A_917 = vector.broadcast %add3A_916 : i32 to vector<1x128xi32>
    %add3A_918 = arith.addi %add3A_908, %add3A_917 : vector<1x128xi32>
    %mul3A_919 = arith.constant 512 : i32
    %mul3A_920 = vector.broadcast %mul3A_919 : i32 to vector<1x128xi32>
    %mul3A_921 = arith.muli %add3A_918, %mul3A_920 : vector<1x128xi32>
    %min3A_922 = vector.broadcast %convert_element_type3A_214 : i32 to vector<1x128xi32>
    %min3A_923 = arith.minsi %min3A_922, %mul3A_921 : vector<1x128xi32>
    %select_n3A_924 = arith.select %eq3A_904, %min3A_923, %select_n3A_901 : vector<1x128xi1>, vector<1x128xi32>
    %eq3A_925 = arith.constant 7 : i32
    %eq3A_926 = vector.broadcast %eq3A_925 : i32 to vector<1x128xi32>
    %eq3A_927 = arith.cmpi eq, %sub3A_755, %eq3A_926 : vector<1x128xi32>
    %sub3A_928 = vector.broadcast %add3A_650 : i32 to vector<1x128xi32>
    %sub3A_929 = arith.subi %min3A_717, %sub3A_928 : vector<1x128xi32>
    %add3A_930 = vector.broadcast %min3A_677 : i32 to vector<1x128xi32>
    %add3A_931 = arith.addi %add3A_930, %sub3A_929 : vector<1x128xi32>
    %select_n3A_932 = arith.select %eq3A_927, %add3A_931, %select_n3A_909 : vector<1x128xi1>, vector<1x128xi32>
    %mul3A_933 = arith.constant 512 : i32
    %mul3A_934 = vector.broadcast %mul3A_933 : i32 to vector<1x128xi32>
    %mul3A_935 = arith.muli %add3A_931, %mul3A_934 : vector<1x128xi32>
    %max3A_936 = vector.broadcast %convert_element_type3A_214 : i32 to vector<1x128xi32>
    %max3A_937 = arith.maxsi %max3A_936, %mul3A_935 : vector<1x128xi32>
    %select_n3A_938 = arith.select %eq3A_927, %max3A_937, %select_n3A_915 : vector<1x128xi1>, vector<1x128xi32>
    %add3A_939 = arith.constant 1 : i32
    %add3A_940 = vector.broadcast %add3A_939 : i32 to vector<1x128xi32>
    %add3A_941 = arith.addi %add3A_931, %add3A_940 : vector<1x128xi32>
    %mul3A_942 = arith.constant 512 : i32
    %mul3A_943 = vector.broadcast %mul3A_942 : i32 to vector<1x128xi32>
    %mul3A_944 = arith.muli %add3A_941, %mul3A_943 : vector<1x128xi32>
    %min3A_945 = vector.broadcast %convert_element_type3A_215 : i32 to vector<1x128xi32>
    %min3A_946 = arith.minsi %min3A_945, %mul3A_944 : vector<1x128xi32>
    %select_n3A_947 = arith.select %eq3A_927, %min3A_946, %select_n3A_924 : vector<1x128xi1>, vector<1x128xi32>
    %lt3A_948 = vector.broadcast %add3A_713 : i32 to vector<1x128xi32>
    %lt3A_949 = arith.cmpi slt, %iota3A_216, %lt3A_948 : vector<1x128xi32>
    %jit3A_950 = arith.constant 0 : i32
    %broadcast_in_dim3A_951 = vector.broadcast %jit3A_950 : i32 to vector<1x128xi32>
    %select_n3A_952 = arith.select %lt3A_949, %select_n3A_938, %broadcast_in_dim3A_951 : vector<1x128xi1>, vector<1x128xi32>
    %jit3A_953 = arith.constant 0 : i32
    %broadcast_in_dim3A_954 = vector.broadcast %jit3A_953 : i32 to vector<1x128xi32>
    %select_n3A_955 = arith.select %lt3A_949, %select_n3A_947, %broadcast_in_dim3A_954 : vector<1x128xi1>, vector<1x128xi32>
    %swap3A_956 = arith.constant 0 : index
    %swap3A_957 = arith.constant 0 : index
    %swap3A_958 = vector.load %arg2[%swap3A_956, %swap3A_957] : memref<4x128xi32, #tpu.memory_space<vmem>>, vector<1x128xi32>
    tpu.vector_store %arg2[%swap3A_956, %swap3A_957], %select_n3A_932 {strides = array<i32>} : memref<4x128xi32, #tpu.memory_space<vmem>>, vector<1x128xi32>,
    %swap3A_959 = arith.constant 1 : index
    %swap3A_960 = arith.constant 0 : index
    %swap3A_961 = vector.load %arg2[%swap3A_959, %swap3A_960] : memref<4x128xi32, #tpu.memory_space<vmem>>, vector<1x128xi32>
    tpu.vector_store %arg2[%swap3A_959, %swap3A_960], %sub3A_755 {strides = array<i32>} : memref<4x128xi32, #tpu.memory_space<vmem>>, vector<1x128xi32>,
    %swap3A_962 = arith.constant 2 : index
    %swap3A_963 = arith.constant 0 : index
    %swap3A_964 = vector.load %arg2[%swap3A_962, %swap3A_963] : memref<4x128xi32, #tpu.memory_space<vmem>>, vector<1x128xi32>
    tpu.vector_store %arg2[%swap3A_962, %swap3A_963], %select_n3A_952 {strides = array<i32>} : memref<4x128xi32, #tpu.memory_space<vmem>>, vector<1x128xi32>,
    %swap3A_965 = arith.constant 3 : index
    %swap3A_966 = arith.constant 0 : index
    %swap3A_967 = vector.load %arg2[%swap3A_965, %swap3A_966] : memref<4x128xi32, #tpu.memory_space<vmem>>, vector<1x128xi32>
    tpu.vector_store %arg2[%swap3A_965, %swap3A_966], %select_n3A_955 {strides = array<i32>} : memref<4x128xi32, #tpu.memory_space<vmem>>, vector<1x128xi32>,
    return
  }
}

</mosaic_0001>

<sc_bundles>
// kernel: kernel.10.cloned.1.call-start
scs
__scs_entry_jumppad:
0x0: {  	(pc) =	sbr.rel $0x88, $3  }
0x1: {  	(tag) =	ssettag $0x0;
	lr =	simm.s32 $0x1  }
0x2: {  	[smem:$0x3F9E] =	sst lr;
	_ =	strace $0xD0000000  }
0x3: {  	_ = 	snop  }
0x4: {  	_ = 	snop  }
0x5: {  	_ = 	snop  }
0x6: {  	_ = 	snop  }
0x7: {  	_ = 	snop  }
__scs_overlays_trampoline_lowered:
0x8: {  	[smem:$0x3FAD] =	sst s0  }
0x9: {  	[smem:$0x3FAE] =	sst s1  }
0xa: {  	[smem:$0x3FAF] =	sst s2  }
0xb: {  	[smem:$0x3FB0] =	sst s3  }
0xc: {  	[smem:$0x3FB1] =	sst s4  }
0xd: {  	[smem:$0x3FB2] =	sst s5  }
0xe: {  	[smem:$0x3FB3] =	sst s6  }
0xf: {  	[smem:$0x3FB4] =	sst s7  }
0x10: {  	[smem:$0x3FB5] =	sst s8  }
0x11: {  	[smem:$0x3FB6] =	sst s9;
	s0 =	simm.s32 @!p0 $0x0  }
0x12: {  	s1 =	sld [smem:$0x3F9C];
	s0 =	simm.s32 @p0 $0x1  }
0x13: {  	[smem:$0x3FB7] =	sst s0;
	s0 =	simm.s32 @!p1 $0x0  }
0x14: {  	s2 =	sld [smem:$0x3F9B];
	s0 =	simm.s32 @p1 $0x1  }
0x15: {  	[smem:$0x3FB8] =	sst s0;
	s0 =	simm.s32 @!p2 $0x0  }
0x16: {  	s3 =	sld [smem:$0x3FDB];
	s0 =	simm.s32 @p2 $0x1  }
0x17: {  	s4 =	simm.s32 $0x1BF5;
	[smem:$0x3FBA] =	sst s0  }
0x18: {  	s0 =	sld [smem:$0x3F9D];
	_ =	swait.ge [sflag:s4], $0x0  }
0x19: {  	s7 =	sld [smem:$0x3F9E]  }
0x1a: {  	s8 =	sadd.s32 $0xFFFFE003, lr  }
0x1b: {  	s9 =	sadd.s32 $0xFFFFFEF7, lr;
	s5 =	simm.s32 $0xFFFFFFFF;
	p2 =	slt.u32 s8, $0xFFFFF086  }
0x1c: {  	p1 =	slt.u32 s9, $0xF7A;
	s5 =	simm.s32 @!p2 $0x0  }
0x1d: {  	s5 =	simm.s32 @p1 $0x1;
	p0 =	seq.s32 s7, s2  }
0x1e: {  	s7 =	smul.u32 @!p0 $0xF7A, s2;
	p2 =	seq.s32 @!p0 s5, $0x0  }
0x1f: {  	s9 =	smul.u32 $0xF7A, s1;
	s8 =	simm.s32 @!p0 $0x1BF5;
	p2 =	por !p2, p0  }
0x20: {  	[sflag:s8] =	ssyncset.s32 @!p0 $0xFFFFF086;
	s6 =	sadd.s32 @!p0 s3, s7;
	s7 =	simm.s32 @!p0 $0x108  }
0x21: {  	s3 =	sadd.s32 s3, s9;
	s6 =	sadd.s32 @!p0 $0x88, s6;
	s7 =	simm.s32 @p2 $0x1082  }
0x22: {  	[simem:s7], [sflag:s8] =	dma.local @!p0 [hbm:s6], $0xF7A  }
0x23: {  	s9 =	sor.u32 $0xD0000000, s2;
	s6 =	simm.s32 $0x108;
	_ =	swait.ge @!p0 [sflag:s8], $0x0  }
0x24: {  	s3 =	sadd.s32 $0x88, s3;
	s6 =	simm.s32 @!p1 $0x1082;
	[sflag:s4] =	ssyncset.s32 $0xFFFFF086  }
0x25: {  	[simem:s6], [sflag:s4] =	dma.local [hbm:s3], $0xF7A  }
0x26: {  	[smem:$0x3F9E] =	sst s1;
	(tag) =	ssettag s2;
	_ =	strace s9  }
0x27: {  	s1 =	sld [smem:$0x3FAE]  }
0x28: {  	s2 =	sld [smem:$0x3FAF]  }
0x29: {  	s4 =	sld [smem:$0x3FB1]  }
0x2a: {  	p0 =	seq.s32 s5, $0x0;
	s5 =	sld [smem:$0x3FB2]  }
0x2b: {  	s6 =	sld [smem:$0x3FB3]  }
0x2c: {  	s7 =	sld [smem:$0x3FB4]  }
0x2d: {  	s3 =	simm.s32 $0x108;
	s8 =	sld [smem:$0x3FB5]  }
0x2e: {  	s3 =	simm.s32 @!p0 $0x1082;
	s9 =	sld [smem:$0x3FB6]  }
0x2f: {  	lr =	sadd.s32 s0, s3;
	s0 =	sld [smem:$0x3FAD]  }
0x30: {  	s3 =	sld [smem:$0x3FB0]  }
0x31: {  	[smem:$0x3FB9] =	sst s10  }
0x32: {  	s10 =	sld [smem:$0x3FB7];
	_ =	sdelay $0x3  }
0x33: {  	p0 =	seq.s32 s10, $0x1;
	s10 =	sld [smem:$0x3FB9];
	_ =	sdelay $0x3  }
0x34: {  	[smem:$0x3FB9] =	sst s10  }
0x35: {  	s10 =	sld [smem:$0x3FB8];
	_ =	sdelay $0x3  }
0x36: {  	p1 =	seq.s32 s10, $0x1;
	s10 =	sld [smem:$0x3FB9];
	_ =	sdelay $0x3  }
0x37: {  	[smem:$0x3FB9] =	sst s10  }
0x38: {  	s10 =	sld [smem:$0x3FBA]  }
0x39: {  	_ = 	snop;
	(pc) =	sbr.ind lr, $3  }
0x3a: {  	_ = 	snop  }
0x3b: {  	_ = 	snop  }
0x3c: {  	p2 =	seq.s32 s10, $0x1;
	s10 =	sld [smem:$0x3FB9]  }
0x3d: {  	_ =	shalt  }
0x3e: {  	_ =	shalt  }
0x3f: {  	_ =	shalt  }
0x40: {  	_ =	shalt  }
0x41: {  	_ =	shalt  }
0x42: {  	_ =	shalt  }
0x43: {  	_ =	shalt  }
0x44: {  	_ =	shalt  }
0x45: {  	_ =	shalt  }
0x46: {  	_ =	shalt  }
0x47: {  	_ =	shalt  }
0x48: {  	_ =	shalt  }
0x49: {  	_ =	shalt  }
0x4a: {  	_ =	shalt  }
0x4b: {  	_ =	shalt  }
0x4c: {  	_ =	shalt  }
0x4d: {  	_ =	shalt  }
0x4e: {  	_ =	shalt  }
0x4f: {  	_ =	shalt  }
0x50: {  	_ =	shalt  }
0x51: {  	_ =	shalt  }
0x52: {  	_ =	shalt  }
0x53: {  	_ =	shalt  }
0x54: {  	_ =	shalt  }
0x55: {  	_ =	shalt  }
0x56: {  	_ =	shalt  }
0x57: {  	_ =	shalt  }
0x58: {  	_ =	shalt  }
0x59: {  	_ =	shalt  }
0x5a: {  	_ =	shalt  }
0x5b: {  	_ =	shalt  }
0x5c: {  	_ =	shalt  }
0x5d: {  	_ =	shalt  }
0x5e: {  	_ =	shalt  }
0x5f: {  	_ =	shalt  }
0x60: {  	_ =	shalt  }
0x61: {  	_ =	shalt  }
0x62: {  	_ =	shalt  }
0x63: {  	_ =	shalt  }
0x64: {  	_ =	shalt  }
0x65: {  	_ =	shalt  }
0x66: {  	_ =	shalt  }
0x67: {  	_ =	shalt  }
0x68: {  	_ =	shalt  }
0x69: {  	_ =	shalt  }
0x6a: {  	_ =	shalt  }
0x6b: {  	_ =	shalt  }
0x6c: {  	_ =	shalt  }
0x6d: {  	_ =	shalt  }
0x6e: {  	_ =	shalt  }
0x6f: {  	_ =	shalt  }
0x70: {  	_ =	shalt  }
0x71: {  	_ =	shalt  }
0x72: {  	_ =	shalt  }
0x73: {  	_ =	shalt  }
0x74: {  	_ =	shalt  }
0x75: {  	_ =	shalt  }
0x76: {  	_ =	shalt  }
0x77: {  	_ =	shalt  }
0x78: {  	_ =	shalt  }
0x79: {  	_ =	shalt  }
0x7a: {  	_ =	shalt  }
0x7b: {  	_ =	shalt  }
0x7c: {  	_ =	shalt  }
0x7d: {  	_ =	shalt  }
0x7e: {  	_ =	shalt  }
0x7f: {  	_ =	shalt  }
0x80: {  	_ =	shalt  }
0x81: {  	_ =	shalt  }
0x82: {  	_ =	shalt  }
0x83: {  	_ =	shalt  }
0x84: {  	_ =	shalt  }
0x85: {  	_ =	shalt  }
0x86: {  	_ =	shalt  }
0x87: {  	_ =	shalt  }
.Lfunc_end0:
.L_simem_size_0:
called_computation.1_lowered:
.L_overlay_start_0:
0x88: {  	s2 =	sld [smem:$0x3FD9]  }
0x89: {  	s3 =	sld [smem:$0x3FFE];
	_ =	sdelay $0x1  }
0x8a: {  	s1 =	srdreg.scid  }
0x8b: {  	s0 =	sand.u32 $0x1, s1  }
0x8c: {  	s14 =	sshll.u32 s0, $0xA;
	s2 =	sadd.s32 s3, s2  }
0x8d: {  	s2 =	sadd.s32 s2, s14  }
0x8e: {  	[smem:$0x3FC5] =	sst s2  }
0x8f: {  	_ = 	snop  }
0x90: {  	s2 =	sld [smem:$0x3FD0];
	_ =	sdelay $0x2  }
0x91: {  	s15 =	simm.s32 $0xA;
	s4 =	simm.s32 $0x10  }
0x92: {  	[smem:s4], [sflag:s15] =	dma.local [hbm:s2], $0x1  }
0x93: {  	_ =	swait.eq [sflag:s15], $0x1  }
0x94: {  	[sflag:s15] =	ssyncset.done $0x0  }
0x95: {  	[sflag:s15] =	ssyncadd.s32 $0xFFFFFFFF  }
0x96: {  	s16 =	sld [smem:$0x10];
	(tm) =	ssettm $0x1  }
0x97: {  	s17 =	sld [smem:$0x3FFB];
	_ =	sdelay $0x3  }
0x98: {  	_ =	strace s17  }
0x99: {  	s3 =	sld [smem:$0x3FFC];
	_ =	sdelay $0x3  }
0x9a: {  	_ =	strace s3  }
0x9b: {  	s3 =	sld [smem:$0x3FFD];
	_ =	sdelay $0x3  }
0x9c: {  	_ =	strace s3  }
0x9d: {  	_ =	strace $0x8FFFFFFF  }
0x9e: {  	s18 =	sld [smem:$0x3FDB];
	_ =	sdelay $0x1  }
0x9f: {  	s19 =	simm.s32 $_scs_section_size  }
0xa0: {  	s5 =	simm.s32 $_size__tile_overlayer_lowered;
	s6 =	simm.s32 $_tile_overlayer_lowered  }
0xa1: {  	s22 =	simm.s32 $0x1BFF;
	s21 =	sshll.u32 s6, $0x1;
	s3 =	sadd.s32 s19, s18  }
0xa2: {  	s7 =	simm.s32 $0x0;
	s20 =	sshll.u32 s5, $0x1;
	s5 =	sadd.s32 s21, s3  }
0xa3: {  	[timem:s7], [sflag:s22] =	dma.local [hbm:s5], s20  }
0xa4: {  	_ =	swait.ge [sflag:s22], s20  }
0xa5: {  	s4 =	ssub.s32 $0x0, s20;
	[sflag:s22] =	ssyncset.done $0x0  }
0xa6: {  	[sflag:s22] =	ssyncadd.s32 s4;
	_ =	sdelay $0x1  }
0xa7: {  	s23 =	simm.s32 $0x1B8B  }
0xa8: {  	_ =	swait.ge [sflag:s23], $0x1  }
0xa9: {  	[sflag:s23] =	ssyncset.done $0x0  }
0xaa: {  	s25 =	simm.s32 $0x1B8E;
	s24 =	sld [smem:$0x3FFE];
	[sflag:s23] =	ssyncadd.s32 $0xFFFFFFFF  }
0xab: {  	s26 =	simm.s32 $execute0_lowered;
	[smem:$0x3FD2] =	sst s25  }
0xac: {  	s5 =	sshll.u32 s26, $0x1;
	_ =	strace $0x80000049;
	[dreg:$0x1] =	wrdreg $0xFFFFFFFF  }
0xad: {  	s28 =	simm.s32 $_size_execute0_lowered;
	s3 =	sadd.s32 s3, s5;
	[dreg:$0x0] =	wrdreg $0x0  }
0xae: {  	s5 =	sshll.u32 s28, $0x1;
	[dreg:$0x2] =	wrdreg s3  }
0xaf: {  	[dreg:$0x3] =	wrdreg s5  }
0xb0: {  	[dreg:$0x4] =	wrdreg $0xC0  }
0xb1: {  	_ =	task [dreg:s7], $0x5FFFF  }
0xb2: {  	[dreg:$0x1] =	wrdreg $0xFFFFFFFF  }
0xb3: {  	[dreg:$0x0] =	wrdreg $0x60  }
0xb4: {  	[dreg:$0x2] =	wrdreg s24  }
0xb5: {  	[dreg:$0x3] =	wrdreg s16  }
0xb6: {  	[dreg:$0x4] =	wrdreg $0x9  }
0xb7: {  	_ =	task.clear_ibuf [dreg:s7], $0x5FFFF;
	_ =	strace $0x90000049  }
0xb8: {  	s29 =	simm.s32 $0x9;
	_ =	strace $0x8000004B  }
0xb9: {  	_ =	swait.ge [sflag:s29], $0x1  }
0xba: {  	[sflag:s29] =	ssyncadd.s32 $0xFFFFFFFF  }
0xbb: {  	_ =	strace $0x9000004B  }
0xbc: {  	_ =	sfence  }
0xbd: {  	s30 =	sld [smem:$0x0];
	_ =	sdelay $0x2  }
0xbe: {  	s31 =	sshll.u32 s1, $0xD;
	s1 =	sshrl.u32 s1, $0x2  }
0xbf: {  	s3 =	sand.u32 $0x4000, s31;
	s1 =	sadd.s32 s1, s30  }
0xc0: {  	s0 =	sor.u32 s3, s0;
	s1 =	sshll.u32 s1, $0x11  }
0xc1: {  	s0 =	sor.u32 s1, s0  }
0xc2: {  	s0 =	sadd.s32 $0x8F2B, s0  }
0xc3: {  	[sflag:s0] =	ssyncadd.remote.s32 $0x1  }
0xc4: {  	_ =	sfence.sel $0xFFFF  }
0xc5: {  	[dreg:$0x0] =	wrdreg $0xFFFFFFFF;
	(pc) =	sbr.abs _section_cstart, $3  }
0xc6: {  	[dreg:$0x1] =	wrdreg $0xFFFFFFFF  }
0xc7: {  	_ =	task.clear_ibuf [dreg:s7], $0x2FFFF;
	_ =	strace $0x9FFFFFFF  }
0xc8: {  	(tm) =	ssettm $0x7FFFFFFF  }
0xc9: {  	_ =	shalt  }
tec
execute0_lowered:
.L_overlay_start_1:
0x0: {  	(tag) =	ssettag $0x1  }
0x1: {  	s8 =	rddreg [dreg:$0x0]  }
0x2: {  	s6 =	rddreg [dreg:$0x1]  }
0x3: {  	s0 =	rddreg [dreg:$0x2]  }
0x4: {  	s2 =	simm.s32 $0x0;
	s3 =	srdreg.scid;
	s1 =	stileid.u32  }
0x5: {  	s13 =	simm.s32 $0x2;
	s14 =	simm.s32 $0x280;
	s15 =	simm.s32 $0xA80  }
0x6: {  	s16 =	simm.s32 $0x1280;
	s17 =	simm.s32 $0x1A80;
	s18 =	simm.s32 $0x2280  }
0x7: {  	s19 =	simm.s32 $0x2A80;
	s20 =	simm.s32 $0x3280;
	s21 =	simm.s32 $0x3A80  }
0x8: {  	s22 =	simm.s32 $0x4280;
	s23 =	simm.s32 $0x4A80;
	s24 =	simm.s32 $0x5280  }
0x9: {  	s25 =	simm.s32 $0x5A80;
	s28 =	simm.s32 $0x6A80;
	s29 =	simm.s32 $0x7280  }
0xa: {  	s30 =	simm.s32 $0x7A80;
	s31 =	simm.s32 $0x1;
	[smem:$0x7FF] =	sst s2  }
0xb: {  	s3 =	sand.u32 $0x1, s3;
	s4 =	sshll.u32 s1, $0x1;
	_ =	strace $0x8000004A  }
0xc: {  	s4 =	sor.u32 s3, s4;
	s5 =	ssub.s32 $0x2, s3;
	s3 =	sadd.s32 $0x1400, s8  }
0xd: {  	s7 =	sshll.u32 s4, $0x4;
	s9 =	sshrl.u32 s5, $0x1;
	s26 =	sshll.u32 s4, $0xE  }
0xe: {  	s7 =	sadd.s32 s7, s8;
	s12 =	ssub.s32 s5, s9;
	s5 =	sadd.s32 $0x1500, s8  }
0xf: {  	v2 =	vlaneseq.u32;
	s6 =	sadd.s32 s6, s26;
	s26 =	simm.s32 $0x6280;
	s4 =	sadd.s32 $0x1200, s7  }
0x10: {  	vm0 =	vmmov $0xffff;
	v1 =	vshrl.u32 v2, $0x3;
	s7 =	sadd.s32 $0x1600, s8;
	s8 =	sadd.s32 $0x1700, s8;
	s9 =	sadd.s32 $0x1000, s6  }
0x11: {  	v0 =	vand.u32 $0x7, v2;
	v2 =	vor.u32 $0x8, v2;
	v1 =	vmul.u32 $0x8, v1;
	s10 =	sadd.s32 $0x2000, s6;
	s11 =	sadd.s32 $0x3000, s6;
	s12 =	smax.u32 s12, $0x1  }
.LBB2_1:
0x12: {  	[tilespmem:s2], [sflag:$0x2] =	stream.linear.gather [hbm4b:s4+s2], $0x80, $0x38;
	[tilespmem:$0x8280] =	vst v63  }
0x13: {  	_ =	swait.ge [sflag:s13], $0x80  }
0x14: {  	[sflag:s13] =	ssyncset.done $0x0  }
0x15: {  	[sflag:s13] =	ssyncadd.s32 $0xFFFFFF80  }
0x16: {  	v3 =	vld [tilespmem:$0x0];
	_ =	sdelay $0x2  }
0x17: {  	v4 =	vld [tilespmem:$0x10]  }
0x18: {  	v5 =	vld [tilespmem:$0x20]  }
0x19: {  	v6 =	vld [tilespmem:$0x30];
	v7 =	vshll.u32 v3, $0x3  }
0x1a: {  	v8 =	vld [tilespmem:$0x40];
	v9 =	vand.u32 $0x7, v3;
	v7 =	vand.u32 $0xFFFFFFC0, v7  }
0x1b: {  	v54 =	vld [tilespmem:$0x60];
	[tilespmem:$0x80] =	vst v3;
	v7 =	vor.u32 v9, v7  }
0x1c: {  	v55 =	vld [tilespmem:$0x70];
	[tilespmem:$0x90] =	vst v4;
	v9 =	vperm.xlane v7, v0  }
0x1d: {  	v3 =	vld [tilespmem:$0x50];
	[tilespmem:$0x100] =	vst v5  }
0x1e: {  	[tilespmem:$0x110] =	vst v6;
	v56 =	vadd.s32 v1, v9  }
0x1f: {  	[tilespmem:$0x180] =	vst v8  }
0x20: {  	[tilespmem:$0x200] =	vst v54  }
0x21: {  	[tilespmem:$0x210] =	vst v55  }
0x22: {  	[tilespmem:$0x190] =	vst v3  }
0x23: {  	[tilespmem:s14], [sflag:$0x1] =	stream.indirect_vreg.gather [hbm4b:s3+s2], $0x80, v56, vm0, $0xb8;
	[tilespmem:$0x8280] =	vst v63  }
0x24: {  	v3 =	vperm.xlane v7, v2  }
0x25: {  	[tilespmem:s15], [sflag:$0x1] =	stream.indirect_vreg.gather [hbm4b:s5+s2], $0x80, v56, vm0, $0xb8;
	[tilespmem:$0x8280] =	vst v63  }
0x26: {  	v3 =	vadd.s32 v1, v3  }
0x27: {  	[tilespmem:s16], [sflag:$0x1] =	stream.indirect_vreg.gather [hbm4b:s7+s2], $0x80, v56, vm0, $0xb8;
	[tilespmem:$0x8280] =	vst v63  }
0x28: {  	_ = 	snop  }
0x29: {  	[tilespmem:s17], [sflag:$0x1] =	stream.indirect_vreg.gather [hbm4b:s8+s2], $0x80, v56, vm0, $0xb8;
	[tilespmem:$0x8280] =	vst v63  }
0x2a: {  	_ = 	snop  }
0x2b: {  	[tilespmem:s18], [sflag:$0x1] =	stream.indirect_vreg.gather [hbm4b:s3+s2], $0x80, v3, vm0, $0xb8;
	[tilespmem:$0x8280] =	vst v63  }
0x2c: {  	_ = 	snop  }
0x2d: {  	[tilespmem:s19], [sflag:$0x1] =	stream.indirect_vreg.gather [hbm4b:s5+s2], $0x80, v3, vm0, $0xb8;
	[tilespmem:$0x8280] =	vst v63  }
0x2e: {  	_ = 	snop  }
0x2f: {  	[tilespmem:s20], [sflag:$0x1] =	stream.indirect_vreg.gather [hbm4b:s7+s2], $0x80, v3, vm0, $0xb8;
	[tilespmem:$0x8280] =	vst v63  }
0x30: {  	_ = 	snop  }
0x31: {  	[tilespmem:s21], [sflag:$0x1] =	stream.indirect_vreg.gather [hbm4b:s8+s2], $0x80, v3, vm0, $0xb8;
	[tilespmem:$0x8280] =	vst v63  }
0x32: {  	v3 =	vld [tilespmem:$0x90];
	_ =	sdelay $0x4  }
0x33: {  	v57 =	vshll.u32 v3, $0x3  }
0x34: {  	v3 =	vand.u32 $0x7, v3;
	v4 =	vand.u32 $0xFFFFFFC0, v57  }
0x35: {  	v3 =	vor.u32 v3, v4  }
0x36: {  	v4 =	vperm.xlane v3, v0;
	_ =	sdelay $0x1  }
0x37: {  	v4 =	vadd.s32 v1, v4;
	_ =	sdelay $0x4  }
0x38: {  	[tilespmem:s22], [sflag:$0x1] =	stream.indirect_vreg.gather [hbm4b:s3+s2], $0x80, v4, vm0, $0xb8;
	[tilespmem:$0x8280] =	vst v63  }
0x39: {  	v3 =	vperm.xlane v3, v2  }
0x3a: {  	[tilespmem:s23], [sflag:$0x1] =	stream.indirect_vreg.gather [hbm4b:s5+s2], $0x80, v4, vm0, $0xb8;
	[tilespmem:$0x8280] =	vst v63  }
0x3b: {  	v3 =	vadd.s32 v1, v3  }
0x3c: {  	[tilespmem:s24], [sflag:$0x1] =	stream.indirect_vreg.gather [hbm4b:s7+s2], $0x80, v4, vm0, $0xb8;
	[tilespmem:$0x8280] =	vst v63  }
0x3d: {  	_ = 	snop  }
0x3e: {  	[tilespmem:s25], [sflag:$0x1] =	stream.indirect_vreg.gather [hbm4b:s8+s2], $0x80, v4, vm0, $0xb8;
	[tilespmem:$0x8280] =	vst v63  }
0x3f: {  	_ = 	snop  }
0x40: {  	[tilespmem:s26], [sflag:$0x1] =	stream.indirect_vreg.gather [hbm4b:s3+s2], $0x80, v3, vm0, $0xb8;
	[tilespmem:$0x8280] =	vst v63  }
0x41: {  	_ = 	snop  }
0x42: {  	[tilespmem:s28], [sflag:$0x1] =	stream.indirect_vreg.gather [hbm4b:s5+s2], $0x80, v3, vm0, $0xb8;
	[tilespmem:$0x8280] =	vst v63  }
0x43: {  	_ = 	snop  }
0x44: {  	[tilespmem:s29], [sflag:$0x1] =	stream.indirect_vreg.gather [hbm4b:s7+s2], $0x80, v3, vm0, $0xb8;
	[tilespmem:$0x8280] =	vst v63  }
0x45: {  	_ = 	snop  }
0x46: {  	[tilespmem:s30], [sflag:$0x1] =	stream.indirect_vreg.gather [hbm4b:s8+s2], $0x80, v3, vm0, $0xb8;
	[tilespmem:$0x8280] =	vst v63  }
0x47: {  	_ =	swait.ge [sflag:s31], $0x8000  }
0x48: {  	[sflag:s31] =	ssyncset.done $0x0  }
0x49: {  	[sflag:s31] =	ssyncadd.s32 $0xFFFF8000  }
0x4a: {  	[hbm4b:s6+s2] =	stream.linear.scatter [tilespmem:s14], [sflag:$0x2], $0x8000, $0x38;
	[tilespmem:$0x8280] =	vst v63  }
0x4b: {  	_ =	swait.ge [sflag:s13], $0x8000  }
0x4c: {  	[sflag:s13] =	ssyncset.done $0x0  }
0x4d: {  	[sflag:s13] =	ssyncadd.s32 $0xFFFF8000  }
0x4e: {  	v3 =	vld [tilespmem:$0x100];
	_ =	sdelay $0x4  }
0x4f: {  	v58 =	vshll.u32 v3, $0x3  }
0x50: {  	v3 =	vand.u32 $0x7, v3;
	v4 =	vand.u32 $0xFFFFFFC0, v58  }
0x51: {  	v3 =	vor.u32 v3, v4  }
0x52: {  	v4 =	vperm.xlane v3, v0;
	_ =	sdelay $0x1  }
0x53: {  	v4 =	vadd.s32 v1, v4;
	_ =	sdelay $0x4  }
0x54: {  	[tilespmem:s14], [sflag:$0x1] =	stream.indirect_vreg.gather [hbm4b:s3+s2], $0x80, v4, vm0, $0xb8;
	[tilespmem:$0x8280] =	vst v63  }
0x55: {  	v3 =	vperm.xlane v3, v2  }
0x56: {  	[tilespmem:s15], [sflag:$0x1] =	stream.indirect_vreg.gather [hbm4b:s5+s2], $0x80, v4, vm0, $0xb8;
	[tilespmem:$0x8280] =	vst v63  }
0x57: {  	v3 =	vadd.s32 v1, v3  }
0x58: {  	[tilespmem:s16], [sflag:$0x1] =	stream.indirect_vreg.gather [hbm4b:s7+s2], $0x80, v4, vm0, $0xb8;
	[tilespmem:$0x8280] =	vst v63  }
0x59: {  	_ = 	snop  }
0x5a: {  	[tilespmem:s17], [sflag:$0x1] =	stream.indirect_vreg.gather [hbm4b:s8+s2], $0x80, v4, vm0, $0xb8;
	[tilespmem:$0x8280] =	vst v63  }
0x5b: {  	_ = 	snop  }
0x5c: {  	[tilespmem:s18], [sflag:$0x1] =	stream.indirect_vreg.gather [hbm4b:s3+s2], $0x80, v3, vm0, $0xb8;
	[tilespmem:$0x8280] =	vst v63  }
0x5d: {  	_ = 	snop  }
0x5e: {  	[tilespmem:s19], [sflag:$0x1] =	stream.indirect_vreg.gather [hbm4b:s5+s2], $0x80, v3, vm0, $0xb8;
	[tilespmem:$0x8280] =	vst v63  }
0x5f: {  	_ = 	snop  }
0x60: {  	[tilespmem:s20], [sflag:$0x1] =	stream.indirect_vreg.gather [hbm4b:s7+s2], $0x80, v3, vm0, $0xb8;
	[tilespmem:$0x8280] =	vst v63  }
0x61: {  	_ = 	snop  }
0x62: {  	[tilespmem:s21], [sflag:$0x1] =	stream.indirect_vreg.gather [hbm4b:s8+s2], $0x80, v3, vm0, $0xb8;
	[tilespmem:$0x8280] =	vst v63  }
0x63: {  	v3 =	vld [tilespmem:$0x110];
	_ =	sdelay $0x4  }
0x64: {  	v59 =	vshll.u32 v3, $0x3  }
0x65: {  	v3 =	vand.u32 $0x7, v3;
	v4 =	vand.u32 $0xFFFFFFC0, v59  }
0x66: {  	v3 =	vor.u32 v3, v4  }
0x67: {  	v4 =	vperm.xlane v3, v0;
	_ =	sdelay $0x1  }
0x68: {  	v4 =	vadd.s32 v1, v4;
	_ =	sdelay $0x4  }
0x69: {  	[tilespmem:s22], [sflag:$0x1] =	stream.indirect_vreg.gather [hbm4b:s3+s2], $0x80, v4, vm0, $0xb8;
	[tilespmem:$0x8280] =	vst v63  }
0x6a: {  	v3 =	vperm.xlane v3, v2  }
0x6b: {  	[tilespmem:s23], [sflag:$0x1] =	stream.indirect_vreg.gather [hbm4b:s5+s2], $0x80, v4, vm0, $0xb8;
	[tilespmem:$0x8280] =	vst v63  }
0x6c: {  	v3 =	vadd.s32 v1, v3  }
0x6d: {  	[tilespmem:s24], [sflag:$0x1] =	stream.indirect_vreg.gather [hbm4b:s7+s2], $0x80, v4, vm0, $0xb8;
	[tilespmem:$0x8280] =	vst v63  }
0x6e: {  	_ = 	snop  }
0x6f: {  	[tilespmem:s25], [sflag:$0x1] =	stream.indirect_vreg.gather [hbm4b:s8+s2], $0x80, v4, vm0, $0xb8;
	[tilespmem:$0x8280] =	vst v63  }
0x70: {  	_ = 	snop  }
0x71: {  	[tilespmem:s26], [sflag:$0x1] =	stream.indirect_vreg.gather [hbm4b:s3+s2], $0x80, v3, vm0, $0xb8;
	[tilespmem:$0x8280] =	vst v63  }
0x72: {  	_ = 	snop  }
0x73: {  	[tilespmem:s28], [sflag:$0x1] =	stream.indirect_vreg.gather [hbm4b:s5+s2], $0x80, v3, vm0, $0xb8;
	[tilespmem:$0x8280] =	vst v63  }
0x74: {  	_ = 	snop  }
0x75: {  	[tilespmem:s29], [sflag:$0x1] =	stream.indirect_vreg.gather [hbm4b:s7+s2], $0x80, v3, vm0, $0xb8;
	[tilespmem:$0x8280] =	vst v63  }
0x76: {  	_ = 	snop  }
0x77: {  	[tilespmem:s30], [sflag:$0x1] =	stream.indirect_vreg.gather [hbm4b:s8+s2], $0x80, v3, vm0, $0xb8;
	[tilespmem:$0x8280] =	vst v63  }
0x78: {  	_ =	swait.ge [sflag:s31], $0x8000  }
0x79: {  	[sflag:s31] =	ssyncset.done $0x0  }
0x7a: {  	[sflag:s31] =	ssyncadd.s32 $0xFFFF8000  }
0x7b: {  	[hbm4b:s9+s2] =	stream.linear.scatter [tilespmem:s14], [sflag:$0x2], $0x8000, $0x38;
	[tilespmem:$0x8280] =	vst v63  }
0x7c: {  	_ =	swait.ge [sflag:s13], $0x8000  }
0x7d: {  	[sflag:s13] =	ssyncset.done $0x0  }
0x7e: {  	[sflag:s13] =	ssyncadd.s32 $0xFFFF8000  }
0x7f: {  	v3 =	vld [tilespmem:$0x180];
	_ =	sdelay $0x4  }
0x80: {  	v60 =	vshll.u32 v3, $0x3  }
0x81: {  	v3 =	vand.u32 $0x7, v3;
	v4 =	vand.u32 $0xFFFFFFC0, v60  }
0x82: {  	v3 =	vor.u32 v3, v4  }
0x83: {  	v4 =	vperm.xlane v3, v0;
	_ =	sdelay $0x1  }
0x84: {  	v4 =	vadd.s32 v1, v4;
	_ =	sdelay $0x4  }
0x85: {  	[tilespmem:s14], [sflag:$0x1] =	stream.indirect_vreg.gather [hbm4b:s3+s2], $0x80, v4, vm0, $0xb8;
	[tilespmem:$0x8280] =	vst v63  }
0x86: {  	v3 =	vperm.xlane v3, v2  }
0x87: {  	[tilespmem:s15], [sflag:$0x1] =	stream.indirect_vreg.gather [hbm4b:s5+s2], $0x80, v4, vm0, $0xb8;
	[tilespmem:$0x8280] =	vst v63  }
0x88: {  	v3 =	vadd.s32 v1, v3  }
0x89: {  	[tilespmem:s16], [sflag:$0x1] =	stream.indirect_vreg.gather [hbm4b:s7+s2], $0x80, v4, vm0, $0xb8;
	[tilespmem:$0x8280] =	vst v63  }
0x8a: {  	_ = 	snop  }
0x8b: {  	[tilespmem:s17], [sflag:$0x1] =	stream.indirect_vreg.gather [hbm4b:s8+s2], $0x80, v4, vm0, $0xb8;
	[tilespmem:$0x8280] =	vst v63  }
0x8c: {  	_ = 	snop  }
0x8d: {  	[tilespmem:s18], [sflag:$0x1] =	stream.indirect_vreg.gather [hbm4b:s3+s2], $0x80, v3, vm0, $0xb8;
	[tilespmem:$0x8280] =	vst v63  }
0x8e: {  	_ = 	snop  }
0x8f: {  	[tilespmem:s19], [sflag:$0x1] =	stream.indirect_vreg.gather [hbm4b:s5+s2], $0x80, v3, vm0, $0xb8;
	[tilespmem:$0x8280] =	vst v63  }
0x90: {  	_ = 	snop  }
0x91: {  	[tilespmem:s20], [sflag:$0x1] =	stream.indirect_vreg.gather [hbm4b:s7+s2], $0x80, v3, vm0, $0xb8;
	[tilespmem:$0x8280] =	vst v63  }
0x92: {  	_ = 	snop  }
0x93: {  	[tilespmem:s21], [sflag:$0x1] =	stream.indirect_vreg.gather [hbm4b:s8+s2], $0x80, v3, vm0, $0xb8;
	[tilespmem:$0x8280] =	vst v63  }
0x94: {  	v3 =	vld [tilespmem:$0x190];
	_ =	sdelay $0x4  }
0x95: {  	v61 =	vshll.u32 v3, $0x3  }
0x96: {  	v3 =	vand.u32 $0x7, v3;
	v4 =	vand.u32 $0xFFFFFFC0, v61  }
0x97: {  	v3 =	vor.u32 v3, v4  }
0x98: {  	v4 =	vperm.xlane v3, v0;
	_ =	sdelay $0x1  }
0x99: {  	v4 =	vadd.s32 v1, v4;
	_ =	sdelay $0x4  }
0x9a: {  	[tilespmem:s22], [sflag:$0x1] =	stream.indirect_vreg.gather [hbm4b:s3+s2], $0x80, v4, vm0, $0xb8;
	[tilespmem:$0x8280] =	vst v63  }
0x9b: {  	v3 =	vperm.xlane v3, v2  }
0x9c: {  	[tilespmem:s23], [sflag:$0x1] =	stream.indirect_vreg.gather [hbm4b:s5+s2], $0x80, v4, vm0, $0xb8;
	[tilespmem:$0x8280] =	vst v63  }
0x9d: {  	v3 =	vadd.s32 v1, v3  }
0x9e: {  	[tilespmem:s24], [sflag:$0x1] =	stream.indirect_vreg.gather [hbm4b:s7+s2], $0x80, v4, vm0, $0xb8;
	[tilespmem:$0x8280] =	vst v63  }
0x9f: {  	_ = 	snop  }
0xa0: {  	[tilespmem:s25], [sflag:$0x1] =	stream.indirect_vreg.gather [hbm4b:s8+s2], $0x80, v4, vm0, $0xb8;
	[tilespmem:$0x8280] =	vst v63  }
0xa1: {  	_ = 	snop  }
0xa2: {  	[tilespmem:s26], [sflag:$0x1] =	stream.indirect_vreg.gather [hbm4b:s3+s2], $0x80, v3, vm0, $0xb8;
	[tilespmem:$0x8280] =	vst v63  }
0xa3: {  	_ = 	snop  }
0xa4: {  	[tilespmem:s28], [sflag:$0x1] =	stream.indirect_vreg.gather [hbm4b:s5+s2], $0x80, v3, vm0, $0xb8;
	[tilespmem:$0x8280] =	vst v63  }
0xa5: {  	_ = 	snop  }
0xa6: {  	[tilespmem:s29], [sflag:$0x1] =	stream.indirect_vreg.gather [hbm4b:s7+s2], $0x80, v3, vm0, $0xb8;
	[tilespmem:$0x8280] =	vst v63  }
0xa7: {  	_ = 	snop  }
0xa8: {  	[tilespmem:s30], [sflag:$0x1] =	stream.indirect_vreg.gather [hbm4b:s8+s2], $0x80, v3, vm0, $0xb8;
	[tilespmem:$0x8280] =	vst v63  }
0xa9: {  	_ =	swait.ge [sflag:s31], $0x8000  }
0xaa: {  	[sflag:s31] =	ssyncset.done $0x0  }
0xab: {  	[sflag:s31] =	ssyncadd.s32 $0xFFFF8000  }
0xac: {  	[hbm4b:s10+s2] =	stream.linear.scatter [tilespmem:s14], [sflag:$0x2], $0x8000, $0x38;
	[tilespmem:$0x8280] =	vst v63  }
0xad: {  	_ =	swait.ge [sflag:s13], $0x8000  }
0xae: {  	[sflag:s13] =	ssyncset.done $0x0  }
0xaf: {  	[sflag:s13] =	ssyncadd.s32 $0xFFFF8000  }
0xb0: {  	v3 =	vld [tilespmem:$0x200];
	_ =	sdelay $0x4  }
0xb1: {  	v62 =	vshll.u32 v3, $0x3  }
0xb2: {  	v3 =	vand.u32 $0x7, v3;
	v4 =	vand.u32 $0xFFFFFFC0, v62  }
0xb3: {  	v3 =	vor.u32 v3, v4  }
0xb4: {  	v4 =	vperm.xlane v3, v0;
	_ =	sdelay $0x1  }
0xb5: {  	v4 =	vadd.s32 v1, v4;
	_ =	sdelay $0x4  }
0xb6: {  	[tilespmem:s14], [sflag:$0x1] =	stream.indirect_vreg.gather [hbm4b:s3+s2], $0x80, v4, vm0, $0xb8;
	[tilespmem:$0x8280] =	vst v63  }
0xb7: {  	v3 =	vperm.xlane v3, v2  }
0xb8: {  	[tilespmem:s15], [sflag:$0x1] =	stream.indirect_vreg.gather [hbm4b:s5+s2], $0x80, v4, vm0, $0xb8;
	[tilespmem:$0x8280] =	vst v63  }
0xb9: {  	v3 =	vadd.s32 v1, v3  }
0xba: {  	[tilespmem:s16], [sflag:$0x1] =	stream.indirect_vreg.gather [hbm4b:s7+s2], $0x80, v4, vm0, $0xb8;
	[tilespmem:$0x8280] =	vst v63  }
0xbb: {  	_ = 	snop  }
0xbc: {  	[tilespmem:s17], [sflag:$0x1] =	stream.indirect_vreg.gather [hbm4b:s8+s2], $0x80, v4, vm0, $0xb8;
	[tilespmem:$0x8280] =	vst v63  }
0xbd: {  	_ = 	snop  }
0xbe: {  	[tilespmem:s18], [sflag:$0x1] =	stream.indirect_vreg.gather [hbm4b:s3+s2], $0x80, v3, vm0, $0xb8;
	[tilespmem:$0x8280] =	vst v63  }
0xbf: {  	_ = 	snop  }
0xc0: {  	[tilespmem:s19], [sflag:$0x1] =	stream.indirect_vreg.gather [hbm4b:s5+s2], $0x80, v3, vm0, $0xb8;
	[tilespmem:$0x8280] =	vst v63  }
0xc1: {  	_ = 	snop  }
0xc2: {  	[tilespmem:s20], [sflag:$0x1] =	stream.indirect_vreg.gather [hbm4b:s7+s2], $0x80, v3, vm0, $0xb8;
	[tilespmem:$0x8280] =	vst v63  }
0xc3: {  	_ = 	snop  }
0xc4: {  	[tilespmem:s21], [sflag:$0x1] =	stream.indirect_vreg.gather [hbm4b:s8+s2], $0x80, v3, vm0, $0xb8;
	[tilespmem:$0x8280] =	vst v63  }
0xc5: {  	v3 =	vld [tilespmem:$0x210];
	_ =	sdelay $0x4  }
0xc6: {  	v63 =	vshll.u32 v3, $0x3  }
0xc7: {  	v3 =	vand.u32 $0x7, v3;
	v4 =	vand.u32 $0xFFFFFFC0, v63  }
0xc8: {  	v3 =	vor.u32 v3, v4  }
0xc9: {  	v4 =	vperm.xlane v3, v0;
	_ =	sdelay $0x1  }
0xca: {  	v4 =	vadd.s32 v1, v4;
	_ =	sdelay $0x4  }
0xcb: {  	[tilespmem:s22], [sflag:$0x1] =	stream.indirect_vreg.gather [hbm4b:s3+s2], $0x80, v4, vm0, $0xb8;
	[tilespmem:$0x8280] =	vst v63  }
0xcc: {  	v3 =	vperm.xlane v3, v2  }
0xcd: {  	[tilespmem:s23], [sflag:$0x1] =	stream.indirect_vreg.gather [hbm4b:s5+s2], $0x80, v4, vm0, $0xb8;
	[tilespmem:$0x8280] =	vst v63  }
0xce: {  	v3 =	vadd.s32 v1, v3  }
0xcf: {  	[tilespmem:s24], [sflag:$0x1] =	stream.indirect_vreg.gather [hbm4b:s7+s2], $0x80, v4, vm0, $0xb8;
	[tilespmem:$0x8280] =	vst v63  }
0xd0: {  	_ = 	snop  }
0xd1: {  	[tilespmem:s25], [sflag:$0x1] =	stream.indirect_vreg.gather [hbm4b:s8+s2], $0x80, v4, vm0, $0xb8;
	[tilespmem:$0x8280] =	vst v63  }
0xd2: {  	_ = 	snop  }
0xd3: {  	[tilespmem:s26], [sflag:$0x1] =	stream.indirect_vreg.gather [hbm4b:s3+s2], $0x80, v3, vm0, $0xb8;
	[tilespmem:$0x8280] =	vst v63  }
0xd4: {  	_ = 	snop  }
0xd5: {  	[tilespmem:s28], [sflag:$0x1] =	stream.indirect_vreg.gather [hbm4b:s5+s2], $0x80, v3, vm0, $0xb8;
	[tilespmem:$0x8280] =	vst v63  }
0xd6: {  	_ = 	snop  }
0xd7: {  	[tilespmem:s29], [sflag:$0x1] =	stream.indirect_vreg.gather [hbm4b:s7+s2], $0x80, v3, vm0, $0xb8;
	[tilespmem:$0x8280] =	vst v63  }
0xd8: {  	_ = 	snop  }
0xd9: {  	[tilespmem:s30], [sflag:$0x1] =	stream.indirect_vreg.gather [hbm4b:s8+s2], $0x80, v3, vm0, $0xb8;
	[tilespmem:$0x8280] =	vst v63  }
0xda: {  	_ =	swait.ge [sflag:s31], $0x8000  }
0xdb: {  	p0 =	sne.s32 s12, $0x1;
	[sflag:s31] =	ssyncset.done $0x0  }
.Ltmp0:
0xdc: {  	[sflag:s31] =	ssyncadd.s32 $0xFFFF8000;
	(pc) =	sbr.rel @p0 .LBB2_1-.Ltmp0, $4  }
0xdd: {  	[hbm4b:s11+s2] =	stream.linear.scatter [tilespmem:s14], [sflag:$0x2], $0x8000, $0x38;
	[tilespmem:$0x8280] =	vst v63  }
0xde: {  	_ =	swait.ge [sflag:s13], $0x8000  }
0xdf: {  	[sflag:s13] =	ssyncset.done $0x0  }
0xe0: {  	s12 =	sadd.s32 $0xFFFFFFFF, s12;
	[sflag:s13] =	ssyncadd.s32 $0xFFFF8000  }
0xe1: {  	_ =	sfence.sel $0x180000  }
0xe2: {  	[bflag:$0x0] =	sbarrier.arrive $0xFFFF  }
0xe3: {  	p0 =	sne.s32 s1, $0x0;
	_ =	strace $0x9000004A  }
0xe4: {  	s0 =	sadd.s32 @!p0 $0x100000, s0;
	[bflag:$0x2] =	sbarrier.arrive $0xFFFF  }
0xe5: {  	[sflag:s0] =	ssyncadd.tile.s32 @!p0 $0x1;
	_ =	shalt  }
.Lfunc_end2:
_tile_overlayer_lowered:
.L_overlay_start_2:
0xe6: {  	(tag) =	ssettag $0x2  }
0xe7: {  	s0 =	rddreg [dreg:$0x0];
	s2 =	stileid.u32  }
0xe8: {  	s1 =	rddreg [dreg:$0x1];
	p0 =	sne.s32 s2, $0x0  }
0xe9: {  	s3 =	rddreg [dreg:$0x2];
	[bflag:$0x3] =	sbarrier.arrive $0xFFFF;
	s2 =	simm.s32 @!p0 $0x1C02  }
0xea: {  	[timem:s3], [sflag:s2] =	dma.local @!p0 [hbm:s0], s1  }
0xeb: {  	s0 =	simm.s32 @!p0 $0x2  }
0xec: {  	_ =	swait.ge @!p0 [sflag:s0], s1  }
0xed: {  	s1 =	ssub.s32 @!p0 $0x0, s1;
	[sflag:s0] =	ssyncset.done @!p0 $0x0  }
0xee: {  	[sflag:s0] =	ssyncadd.s32 @!p0 s1  }
0xef: {  	[bflag:$0x3] =	sbarrier.arrive $0xFFFF  }
0xf0: {  	_ =	shalt  }

// kernel: kernel.7.cloned.1.call-start
scs
__scs_entry_jumppad:
0x0: {  	(pc) =	sbr.rel $0x88, $3  }
0x1: {  	(tag) =	ssettag $0x0;
	lr =	simm.s32 $0x1  }
0x2: {  	[smem:$0x3F9E] =	sst lr;
	_ =	strace $0xD0000000  }
0x3: {  	_ = 	snop  }
0x4: {  	_ = 	snop  }
0x5: {  	_ = 	snop  }
0x6: {  	_ = 	snop  }
0x7: {  	_ = 	snop  }
__scs_overlays_trampoline_lowered:
0x8: {  	[smem:$0x3FAD] =	sst s0  }
0x9: {  	[smem:$0x3FAE] =	sst s1  }
0xa: {  	[smem:$0x3FAF] =	sst s2  }
0xb: {  	[smem:$0x3FB0] =	sst s3  }
0xc: {  	[smem:$0x3FB1] =	sst s4  }
0xd: {  	[smem:$0x3FB2] =	sst s5  }
0xe: {  	[smem:$0x3FB3] =	sst s6  }
0xf: {  	[smem:$0x3FB4] =	sst s7  }
0x10: {  	[smem:$0x3FB5] =	sst s8  }
0x11: {  	[smem:$0x3FB6] =	sst s9;
	s0 =	simm.s32 @!p0 $0x0  }
0x12: {  	s1 =	sld [smem:$0x3F9C];
	s0 =	simm.s32 @p0 $0x1  }
0x13: {  	[smem:$0x3FB7] =	sst s0;
	s0 =	simm.s32 @!p1 $0x0  }
0x14: {  	s2 =	sld [smem:$0x3F9B];
	s0 =	simm.s32 @p1 $0x1  }
0x15: {  	[smem:$0x3FB8] =	sst s0;
	s0 =	simm.s32 @!p2 $0x0  }
0x16: {  	s3 =	sld [smem:$0x3FDB];
	s0 =	simm.s32 @p2 $0x1  }
0x17: {  	s4 =	simm.s32 $0x1BF5;
	[smem:$0x3FBA] =	sst s0  }
0x18: {  	s0 =	sld [smem:$0x3F9D];
	_ =	swait.ge [sflag:s4], $0x0  }
0x19: {  	s7 =	sld [smem:$0x3F9E]  }
0x1a: {  	s8 =	sadd.s32 $0xFFFFE003, lr  }
0x1b: {  	s9 =	sadd.s32 $0xFFFFFEF7, lr;
	s5 =	simm.s32 $0xFFFFFFFF;
	p2 =	slt.u32 s8, $0xFFFFF086  }
0x1c: {  	p1 =	slt.u32 s9, $0xF7A;
	s5 =	simm.s32 @!p2 $0x0  }
0x1d: {  	s5 =	simm.s32 @p1 $0x1;
	p0 =	seq.s32 s7, s2  }
0x1e: {  	s7 =	smul.u32 @!p0 $0xF7A, s2;
	p2 =	seq.s32 @!p0 s5, $0x0  }
0x1f: {  	s9 =	smul.u32 $0xF7A, s1;
	s8 =	simm.s32 @!p0 $0x1BF5;
	p2 =	por !p2, p0  }
0x20: {  	[sflag:s8] =	ssyncset.s32 @!p0 $0xFFFFF086;
	s6 =	sadd.s32 @!p0 s3, s7;
	s7 =	simm.s32 @!p0 $0x108  }
0x21: {  	s3 =	sadd.s32 s3, s9;
	s6 =	sadd.s32 @!p0 $0x88, s6;
	s7 =	simm.s32 @p2 $0x1082  }
0x22: {  	[simem:s7], [sflag:s8] =	dma.local @!p0 [hbm:s6], $0xF7A  }
0x23: {  	s9 =	sor.u32 $0xD0000000, s2;
	s6 =	simm.s32 $0x108;
	_ =	swait.ge @!p0 [sflag:s8], $0x0  }
0x24: {  	s3 =	sadd.s32 $0x88, s3;
	s6 =	simm.s32 @!p1 $0x1082;
	[sflag:s4] =	ssyncset.s32 $0xFFFFF086  }
0x25: {  	[simem:s6], [sflag:s4] =	dma.local [hbm:s3], $0xF7A  }
0x26: {  	[smem:$0x3F9E] =	sst s1;
	(tag) =	ssettag s2;
	_ =	strace s9  }
0x27: {  	s1 =	sld [smem:$0x3FAE]  }
0x28: {  	s2 =	sld [smem:$0x3FAF]  }
0x29: {  	s4 =	sld [smem:$0x3FB1]  }
0x2a: {  	p0 =	seq.s32 s5, $0x0;
	s5 =	sld [smem:$0x3FB2]  }
0x2b: {  	s6 =	sld [smem:$0x3FB3]  }
0x2c: {  	s7 =	sld [smem:$0x3FB4]  }
0x2d: {  	s3 =	simm.s32 $0x108;
	s8 =	sld [smem:$0x3FB5]  }
0x2e: {  	s3 =	simm.s32 @!p0 $0x1082;
	s9 =	sld [smem:$0x3FB6]  }
0x2f: {  	lr =	sadd.s32 s0, s3;
	s0 =	sld [smem:$0x3FAD]  }
0x30: {  	s3 =	sld [smem:$0x3FB0]  }
0x31: {  	[smem:$0x3FB9] =	sst s10  }
0x32: {  	s10 =	sld [smem:$0x3FB7];
	_ =	sdelay $0x3  }
0x33: {  	p0 =	seq.s32 s10, $0x1;
	s10 =	sld [smem:$0x3FB9];
	_ =	sdelay $0x3  }
0x34: {  	[smem:$0x3FB9] =	sst s10  }
0x35: {  	s10 =	sld [smem:$0x3FB8];
	_ =	sdelay $0x3  }
0x36: {  	p1 =	seq.s32 s10, $0x1;
	s10 =	sld [smem:$0x3FB9];
	_ =	sdelay $0x3  }
0x37: {  	[smem:$0x3FB9] =	sst s10  }
0x38: {  	s10 =	sld [smem:$0x3FBA]  }
0x39: {  	_ = 	snop;
	(pc) =	sbr.ind lr, $3  }
0x3a: {  	_ = 	snop  }
0x3b: {  	_ = 	snop  }
0x3c: {  	p2 =	seq.s32 s10, $0x1;
	s10 =	sld [smem:$0x3FB9]  }
0x3d: {  	_ =	shalt  }
0x3e: {  	_ =	shalt  }
0x3f: {  	_ =	shalt  }
0x40: {  	_ =	shalt  }
0x41: {  	_ =	shalt  }
0x42: {  	_ =	shalt  }
0x43: {  	_ =	shalt  }
0x44: {  	_ =	shalt  }
0x45: {  	_ =	shalt  }
0x46: {  	_ =	shalt  }
0x47: {  	_ =	shalt  }
0x48: {  	_ =	shalt  }
0x49: {  	_ =	shalt  }
0x4a: {  	_ =	shalt  }
0x4b: {  	_ =	shalt  }
0x4c: {  	_ =	shalt  }
0x4d: {  	_ =	shalt  }
0x4e: {  	_ =	shalt  }
0x4f: {  	_ =	shalt  }
0x50: {  	_ =	shalt  }
0x51: {  	_ =	shalt  }
0x52: {  	_ =	shalt  }
0x53: {  	_ =	shalt  }
0x54: {  	_ =	shalt  }
0x55: {  	_ =	shalt  }
0x56: {  	_ =	shalt  }
0x57: {  	_ =	shalt  }
0x58: {  	_ =	shalt  }
0x59: {  	_ =	shalt  }
0x5a: {  	_ =	shalt  }
0x5b: {  	_ =	shalt  }
0x5c: {  	_ =	shalt  }
0x5d: {  	_ =	shalt  }
0x5e: {  	_ =	shalt  }
0x5f: {  	_ =	shalt  }
0x60: {  	_ =	shalt  }
0x61: {  	_ =	shalt  }
0x62: {  	_ =	shalt  }
0x63: {  	_ =	shalt  }
0x64: {  	_ =	shalt  }
0x65: {  	_ =	shalt  }
0x66: {  	_ =	shalt  }
0x67: {  	_ =	shalt  }
0x68: {  	_ =	shalt  }
0x69: {  	_ =	shalt  }
0x6a: {  	_ =	shalt  }
0x6b: {  	_ =	shalt  }
0x6c: {  	_ =	shalt  }
0x6d: {  	_ =	shalt  }
0x6e: {  	_ =	shalt  }
0x6f: {  	_ =	shalt  }
0x70: {  	_ =	shalt  }
0x71: {  	_ =	shalt  }
0x72: {  	_ =	shalt  }
0x73: {  	_ =	shalt  }
0x74: {  	_ =	shalt  }
0x75: {  	_ =	shalt  }
0x76: {  	_ =	shalt  }
0x77: {  	_ =	shalt  }
0x78: {  	_ =	shalt  }
0x79: {  	_ =	shalt  }
0x7a: {  	_ =	shalt  }
0x7b: {  	_ =	shalt  }
0x7c: {  	_ =	shalt  }
0x7d: {  	_ =	shalt  }
0x7e: {  	_ =	shalt  }
0x7f: {  	_ =	shalt  }
0x80: {  	_ =	shalt  }
0x81: {  	_ =	shalt  }
0x82: {  	_ =	shalt  }
0x83: {  	_ =	shalt  }
0x84: {  	_ =	shalt  }
0x85: {  	_ =	shalt  }
0x86: {  	_ =	shalt  }
0x87: {  	_ =	shalt  }
.Lfunc_end0:
.L_simem_size_0:
called_computation_lowered:
.L_overlay_start_0:
0x88: {  	s2 =	sld [smem:$0x3FD9]  }
0x89: {  	s3 =	sld [smem:$0x3FFE];
	_ =	sdelay $0x1  }
0x8a: {  	s1 =	srdreg.scid  }
0x8b: {  	s0 =	sand.u32 $0x1, s1  }
0x8c: {  	s14 =	sshll.u32 s0, $0xA;
	s2 =	sadd.s32 s3, s2  }
0x8d: {  	s2 =	sadd.s32 s2, s14  }
0x8e: {  	[smem:$0x3FC5] =	sst s2  }
0x8f: {  	_ = 	snop  }
0x90: {  	s2 =	sld [smem:$0x3FD0];
	_ =	sdelay $0x2  }
0x91: {  	s4 =	simm.s32 $0xA;
	s5 =	simm.s32 $0x10;
	s15 =	sld [smem:$0x3FC9]  }
0x92: {  	[smem:s5], [sflag:s4] =	dma.local [hbm:s2], $0x1  }
0x93: {  	_ =	swait.eq [sflag:s4], $0x1  }
0x94: {  	[sflag:s4] =	ssyncset.done $0x0  }
0x95: {  	[sflag:s4] =	ssyncadd.s32 $0xFFFFFFFF  }
0x96: {  	s16 =	sld [smem:$0x10];
	(tm) =	ssettm $0x1  }
0x97: {  	s17 =	sld [smem:$0x3FFB];
	_ =	sdelay $0x3  }
0x98: {  	_ =	strace s17  }
0x99: {  	s4 =	sld [smem:$0x3FFC];
	_ =	sdelay $0x3  }
0x9a: {  	_ =	strace s4  }
0x9b: {  	s4 =	sld [smem:$0x3FFD];
	_ =	sdelay $0x3  }
0x9c: {  	_ =	strace s4  }
0x9d: {  	_ =	strace $0x8FFFFFFF  }
0x9e: {  	s18 =	sld [smem:$0x3FDB];
	_ =	sdelay $0x1  }
0x9f: {  	s19 =	simm.s32 $_scs_section_size  }
0xa0: {  	s6 =	simm.s32 $_size__tile_overlayer_lowered;
	s7 =	simm.s32 $_tile_overlayer_lowered  }
0xa1: {  	s22 =	simm.s32 $0x1BFF;
	s21 =	sshll.u32 s7, $0x1;
	s4 =	sadd.s32 s19, s18  }
0xa2: {  	s8 =	simm.s32 $0x0;
	s20 =	sshll.u32 s6, $0x1;
	s6 =	sadd.s32 s21, s4  }
0xa3: {  	[timem:s8], [sflag:s22] =	dma.local [hbm:s6], s20  }
0xa4: {  	_ =	swait.ge [sflag:s22], s20  }
0xa5: {  	s5 =	ssub.s32 $0x0, s20;
	[sflag:s22] =	ssyncset.done $0x0  }
0xa6: {  	[sflag:s22] =	ssyncadd.s32 s5;
	_ =	sdelay $0x1  }
0xa7: {  	s23 =	simm.s32 $0x1B8B  }
0xa8: {  	_ =	swait.ge [sflag:s23], $0x1  }
0xa9: {  	[sflag:s23] =	ssyncset.done $0x0  }
0xaa: {  	s25 =	simm.s32 $0x1B8E;
	s24 =	sld [smem:$0x3FFE];
	[sflag:s23] =	ssyncadd.s32 $0xFFFFFFFF  }
0xab: {  	s26 =	simm.s32 $execute0_lowered;
	[smem:$0x3FD2] =	sst s25  }
0xac: {  	s6 =	sshll.u32 s26, $0x1;
	_ =	strace $0x80000046;
	[dreg:$0x1] =	wrdreg $0xFFFFFFFF  }
0xad: {  	s28 =	simm.s32 $_size_execute0_lowered;
	s4 =	sadd.s32 s4, s6;
	[dreg:$0x0] =	wrdreg $0x0  }
0xae: {  	s6 =	sshll.u32 s28, $0x1;
	[dreg:$0x2] =	wrdreg s4  }
0xaf: {  	[dreg:$0x3] =	wrdreg s6  }
0xb0: {  	[dreg:$0x4] =	wrdreg $0xC0  }
0xb1: {  	_ =	task [dreg:s8], $0x5FFFF  }
0xb2: {  	[dreg:$0x1] =	wrdreg $0xFFFFFFFF  }
0xb3: {  	[dreg:$0x0] =	wrdreg $0x60  }
0xb4: {  	[dreg:$0x2] =	wrdreg s15  }
0xb5: {  	[dreg:$0x3] =	wrdreg s24  }
0xb6: {  	[dreg:$0x4] =	wrdreg s16  }
0xb7: {  	[dreg:$0x5] =	wrdreg $0x9  }
0xb8: {  	_ =	task.clear_ibuf [dreg:s8], $0x6FFFF;
	_ =	strace $0x90000046  }
0xb9: {  	s29 =	simm.s32 $0x9;
	_ =	strace $0x80000048  }
0xba: {  	_ =	swait.ge [sflag:s29], $0x1  }
0xbb: {  	[sflag:s29] =	ssyncadd.s32 $0xFFFFFFFF  }
0xbc: {  	_ =	strace $0x90000048  }
0xbd: {  	_ =	sfence  }
0xbe: {  	s30 =	sld [smem:$0x0];
	_ =	sdelay $0x2  }
0xbf: {  	s31 =	sshll.u32 s1, $0xD;
	s1 =	sshrl.u32 s1, $0x2  }
0xc0: {  	s3 =	sand.u32 $0x4000, s31;
	s1 =	sadd.s32 s1, s30  }
0xc1: {  	s0 =	sor.u32 s3, s0;
	s1 =	sshll.u32 s1, $0x11  }
0xc2: {  	s0 =	sor.u32 s1, s0  }
0xc3: {  	s0 =	sadd.s32 $0x8F2B, s0  }
0xc4: {  	[sflag:s0] =	ssyncadd.remote.s32 $0x1  }
0xc5: {  	_ =	sfence.sel $0xFFFF  }
0xc6: {  	[dreg:$0x0] =	wrdreg $0xFFFFFFFF;
	(pc) =	sbr.abs _section_cstart, $3  }
0xc7: {  	[dreg:$0x1] =	wrdreg $0xFFFFFFFF  }
0xc8: {  	_ =	task.clear_ibuf [dreg:s8], $0x2FFFF;
	_ =	strace $0x9FFFFFFF  }
0xc9: {  	(tm) =	ssettm $0x7FFFFFFF  }
tec
execute0_lowered:
.L_overlay_start_1:
0x0: {  	(tag) =	ssettag $0x1  }
0x1: {  	s0 =	rddreg [dreg:$0x0]  }
0x2: {  	s1 =	rddreg [dreg:$0x1]  }
0x3: {  	s3 =	srdreg.scid;
	s5 =	stileid.u32  }
0x4: {  	s2 =	rddreg [dreg:$0x2];
	s12 =	simm.s32 $0x8280;
	s29 =	simm.s32 $0x1  }
0x5: {  	s28 =	simm.s32 $0x1280;
	s31 =	simm.s32 $0x1A80;
	s30 =	simm.s32 $0x3  }
0x6: {  	s22 =	simm.s32 $0x8A80;
	s9 =	simm.s32 $0x9A80;
	s10 =	simm.s32 $0xA280  }
0x7: {  	s13 =	simm.s32 $0xBA80;
	s14 =	simm.s32 $0xC280;
	s15 =	simm.s32 $0xCA80  }
0x8: {  	s16 =	simm.s32 $0xD280;
	s17 =	simm.s32 $0xDA80;
	s18 =	simm.s32 $0xE280  }
0x9: {  	s19 =	simm.s32 $0xEA80;
	s20 =	simm.s32 $0xF280;
	s21 =	simm.s32 $0xFA80  }
0xa: {  	s4 =	sand.u32 $0x1, s3;
	s5 =	sshll.u32 s5, $0x1;
	s3 =	simm.s32 $0x0  }
0xb: {  	s7 =	sadd.s32 $0x300, s2;
	s5 =	sor.u32 s4, s5;
	[smem:$0x7FF] =	sst s3  }
0xc: {  	s4 =	ssub.s32 $0x2, s4;
	s6 =	sshll.u32 s5, $0x4;
	_ =	strace $0x80000047  }
0xd: {  	s5 =	sshll.u32 s5, $0xE;
	s23 =	sshrl.u32 s4, $0x1;
	s1 =	sadd.s32 s6, s1  }
0xe: {  	s8 =	sadd.s32 s0, s5;
	s0 =	ssub.s32 s4, s23;
	s5 =	sadd.s32 $0x100, s2  }
0xf: {  	s6 =	sadd.s32 $0x200, s2;
	s1 =	sadd.s32 $0x1200, s1;
	[dreg:$0x8] =	wrdreg s8  }
0x10: {  	s23 =	simm.s32 $0x9280;
	s24 =	sadd.s32 $0x1000, s8;
	[dreg:$0x4] =	wrdreg s1  }
0x11: {  	v2 =	vlaneseq.u32;
	s4 =	simm.s32 $0xB280;
	s25 =	sadd.s32 $0x2000, s8;
	[dreg:$0x5] =	wrdreg s24  }
0x12: {  	vm0 =	vmmov $0xffff;
	v1 =	vshrl.u32 v2, $0x3;
	s26 =	sadd.s32 $0x3000, s8;
	s8 =	smax.u32 s0, $0x1;
	[dreg:$0x6] =	wrdreg s25  }
0x13: {  	v0 =	vand.u32 $0x7, v2;
	v2 =	vor.u32 $0x8, v2;
	v1 =	vmul.u32 $0x8, v1;
	[dreg:$0x7] =	wrdreg s26;
	s24 =	simm.s32 $0x4;
	s1 =	simm.s32 $0xAA80  }
.LBB2_1:
0x14: {  	s25 =	rddreg [dreg:$0x4];
	s0 =	simm.s32 $0x5  }
0x15: {  	[tilespmem:s3], [sflag:$0x5] =	stream.linear.gather [hbm4b:s25+s3], $0x80, $0x38;
	[tilespmem:$0x10280] =	vst v63  }
0x16: {  	_ =	swait.ge [sflag:s0], $0x80  }
0x17: {  	[sflag:s0] =	ssyncset.done $0x0  }
0x18: {  	[sflag:s0] =	ssyncadd.s32 $0xFFFFFF80  }
0x19: {  	v3 =	vld [tilespmem:$0x0]  }
0x1a: {  	v4 =	vld [tilespmem:$0x10]  }
0x1b: {  	v5 =	vld [tilespmem:$0x20]  }
0x1c: {  	v6 =	vld [tilespmem:$0x30]  }
0x1d: {  	v7 =	vld [tilespmem:$0x40]  }
0x1e: {  	v54 =	vld [tilespmem:$0x60];
	[tilespmem:$0x80] =	vst v3  }
0x1f: {  	v55 =	vld [tilespmem:$0x70];
	[tilespmem:$0x90] =	vst v4  }
0x20: {  	v3 =	vld [tilespmem:$0x50];
	[tilespmem:$0x100] =	vst v5  }
0x21: {  	[tilespmem:$0x110] =	vst v6  }
0x22: {  	[tilespmem:$0x180] =	vst v7  }
0x23: {  	[tilespmem:$0x200] =	vst v54  }
0x24: {  	[tilespmem:$0x210] =	vst v55  }
0x25: {  	s11 =	simm.s32 $0x280;
	s26 =	rddreg [dreg:$0x8];
	[tilespmem:$0x190] =	vst v3  }
0x26: {  	[tilespmem:s11], [sflag:$0x1] =	stream.linear.gather [hbm4b:s26+s3], $0x8000, $0x38;
	[tilespmem:$0x10280] =	vst v63  }
0x27: {  	s0 =	rddreg [dreg:$0x5]  }
0x28: {  	[tilespmem:s12], [sflag:$0x2] =	stream.linear.gather [hbm4b:s0+s3], $0x8000, $0x38;
	[tilespmem:$0x10280] =	vst v63  }
0x29: {  	_ =	swait.ge [sflag:s29], $0x8000  }
0x2a: {  	[sflag:s29] =	ssyncset.done $0x0  }
0x2b: {  	[sflag:s29] =	ssyncadd.s32 $0xFFFF8000  }
0x2c: {  	v3 =	vld [tilespmem:$0x80];
	_ =	sdelay $0x4  }
0x2d: {  	v56 =	vshll.u32 v3, $0x3  }
0x2e: {  	v3 =	vand.u32 $0x7, v3;
	v4 =	vand.u32 $0xFFFFFFC0, v56  }
0x2f: {  	v3 =	vor.u32 v3, v4  }
0x30: {  	v4 =	vperm.xlane v3, v0;
	_ =	sdelay $0x1  }
0x31: {  	v4 =	vadd.s32 v1, v4;
	_ =	sdelay $0x4  }
0x32: {  	[hbm4b:s2+s3] =	stream.indirect_vreg.scatter [tilespmem:s11], [sflag:$0x3], $0x80, v4, vm0, $0xb8;
	[tilespmem:$0x10280] =	vst v63  }
0x33: {  	s26 =	simm.s32 $0xA80;
	v3 =	vperm.xlane v3, v2  }
0x34: {  	[hbm4b:s5+s3] =	stream.indirect_vreg.scatter [tilespmem:s26], [sflag:$0x3], $0x80, v4, vm0, $0xb8;
	[tilespmem:$0x10280] =	vst v63  }
0x35: {  	v3 =	vadd.s32 v1, v3  }
0x36: {  	[hbm4b:s6+s3] =	stream.indirect_vreg.scatter [tilespmem:s28], [sflag:$0x3], $0x80, v4, vm0, $0xb8;
	[tilespmem:$0x10280] =	vst v63  }
0x37: {  	_ = 	snop  }
0x38: {  	[hbm4b:s7+s3] =	stream.indirect_vreg.scatter [tilespmem:s31], [sflag:$0x3], $0x80, v4, vm0, $0xb8;
	[tilespmem:$0x10280] =	vst v63  }
0x39: {  	s25 =	simm.s32 $0x2280  }
0x3a: {  	[hbm4b:s2+s3] =	stream.indirect_vreg.scatter [tilespmem:s25], [sflag:$0x3], $0x80, v3, vm0, $0xb8;
	[tilespmem:$0x10280] =	vst v63  }
0x3b: {  	s25 =	simm.s32 $0x2A80  }
0x3c: {  	[hbm4b:s5+s3] =	stream.indirect_vreg.scatter [tilespmem:s25], [sflag:$0x3], $0x80, v3, vm0, $0xb8;
	[tilespmem:$0x10280] =	vst v63  }
0x3d: {  	s25 =	simm.s32 $0x3280  }
0x3e: {  	[hbm4b:s6+s3] =	stream.indirect_vreg.scatter [tilespmem:s25], [sflag:$0x3], $0x80, v3, vm0, $0xb8;
	[tilespmem:$0x10280] =	vst v63  }
0x3f: {  	s25 =	simm.s32 $0x3A80  }
0x40: {  	[hbm4b:s7+s3] =	stream.indirect_vreg.scatter [tilespmem:s25], [sflag:$0x3], $0x80, v3, vm0, $0xb8;
	[tilespmem:$0x10280] =	vst v63  }
0x41: {  	v3 =	vld [tilespmem:$0x90];
	_ =	sdelay $0x4  }
0x42: {  	v57 =	vshll.u32 v3, $0x3  }
0x43: {  	v3 =	vand.u32 $0x7, v3;
	v4 =	vand.u32 $0xFFFFFFC0, v57  }
0x44: {  	v3 =	vor.u32 v3, v4  }
0x45: {  	v4 =	vperm.xlane v3, v0;
	_ =	sdelay $0x1  }
0x46: {  	v4 =	vadd.s32 v1, v4;
	_ =	sdelay $0x3  }
0x47: {  	s25 =	simm.s32 $0x4280  }
0x48: {  	[hbm4b:s2+s3] =	stream.indirect_vreg.scatter [tilespmem:s25], [sflag:$0x3], $0x80, v4, vm0, $0xb8;
	[tilespmem:$0x10280] =	vst v63  }
0x49: {  	v3 =	vperm.xlane v3, v2;
	s25 =	simm.s32 $0x4A80  }
0x4a: {  	[hbm4b:s5+s3] =	stream.indirect_vreg.scatter [tilespmem:s25], [sflag:$0x3], $0x80, v4, vm0, $0xb8;
	[tilespmem:$0x10280] =	vst v63  }
0x4b: {  	v3 =	vadd.s32 v1, v3;
	s25 =	simm.s32 $0x5280  }
0x4c: {  	[hbm4b:s6+s3] =	stream.indirect_vreg.scatter [tilespmem:s25], [sflag:$0x3], $0x80, v4, vm0, $0xb8;
	[tilespmem:$0x10280] =	vst v63  }
0x4d: {  	s25 =	simm.s32 $0x5A80  }
0x4e: {  	[hbm4b:s7+s3] =	stream.indirect_vreg.scatter [tilespmem:s25], [sflag:$0x3], $0x80, v4, vm0, $0xb8;
	[tilespmem:$0x10280] =	vst v63  }
0x4f: {  	s25 =	simm.s32 $0x6280  }
0x50: {  	[hbm4b:s2+s3] =	stream.indirect_vreg.scatter [tilespmem:s25], [sflag:$0x3], $0x80, v3, vm0, $0xb8;
	[tilespmem:$0x10280] =	vst v63  }
0x51: {  	s25 =	simm.s32 $0x6A80  }
0x52: {  	[hbm4b:s5+s3] =	stream.indirect_vreg.scatter [tilespmem:s25], [sflag:$0x3], $0x80, v3, vm0, $0xb8;
	[tilespmem:$0x10280] =	vst v63  }
0x53: {  	s25 =	simm.s32 $0x7280  }
0x54: {  	[hbm4b:s6+s3] =	stream.indirect_vreg.scatter [tilespmem:s25], [sflag:$0x3], $0x80, v3, vm0, $0xb8;
	[tilespmem:$0x10280] =	vst v63  }
0x55: {  	s25 =	simm.s32 $0x7A80  }
0x56: {  	[hbm4b:s7+s3] =	stream.indirect_vreg.scatter [tilespmem:s25], [sflag:$0x3], $0x80, v3, vm0, $0xb8;
	[tilespmem:$0x10280] =	vst v63  }
0x57: {  	_ =	swait.ge [sflag:s30], $0x8000  }
0x58: {  	[sflag:s30] =	ssyncset.done $0x0  }
0x59: {  	s0 =	rddreg [dreg:$0x6];
	[sflag:s30] =	ssyncadd.s32 $0xFFFF8000  }
0x5a: {  	[tilespmem:s11], [sflag:$0x1] =	stream.linear.gather [hbm4b:s0+s3], $0x8000, $0x38;
	[tilespmem:$0x10280] =	vst v63  }
0x5b: {  	s0 =	simm.s32 $0x2  }
0x5c: {  	_ =	swait.ge [sflag:s0], $0x8000  }
0x5d: {  	[sflag:s0] =	ssyncset.done $0x0  }
0x5e: {  	[sflag:s0] =	ssyncadd.s32 $0xFFFF8000  }
0x5f: {  	v3 =	vld [tilespmem:$0x100];
	_ =	sdelay $0x4  }
0x60: {  	v58 =	vshll.u32 v3, $0x3  }
0x61: {  	v3 =	vand.u32 $0x7, v3;
	v4 =	vand.u32 $0xFFFFFFC0, v58  }
0x62: {  	v3 =	vor.u32 v3, v4  }
0x63: {  	v4 =	vperm.xlane v3, v0;
	_ =	sdelay $0x1  }
0x64: {  	v4 =	vadd.s32 v1, v4;
	_ =	sdelay $0x4  }
0x65: {  	[hbm4b:s2+s3] =	stream.indirect_vreg.scatter [tilespmem:s12], [sflag:$0x4], $0x80, v4, vm0, $0xb8;
	[tilespmem:$0x10280] =	vst v63  }
0x66: {  	v3 =	vperm.xlane v3, v2  }
0x67: {  	[hbm4b:s5+s3] =	stream.indirect_vreg.scatter [tilespmem:s22], [sflag:$0x4], $0x80, v4, vm0, $0xb8;
	[tilespmem:$0x10280] =	vst v63  }
0x68: {  	v3 =	vadd.s32 v1, v3  }
0x69: {  	[hbm4b:s6+s3] =	stream.indirect_vreg.scatter [tilespmem:s23], [sflag:$0x4], $0x80, v4, vm0, $0xb8;
	[tilespmem:$0x10280] =	vst v63  }
0x6a: {  	_ = 	snop  }
0x6b: {  	[hbm4b:s7+s3] =	stream.indirect_vreg.scatter [tilespmem:s9], [sflag:$0x4], $0x80, v4, vm0, $0xb8;
	[tilespmem:$0x10280] =	vst v63  }
0x6c: {  	_ = 	snop  }
0x6d: {  	[hbm4b:s2+s3] =	stream.indirect_vreg.scatter [tilespmem:s10], [sflag:$0x4], $0x80, v3, vm0, $0xb8;
	[tilespmem:$0x10280] =	vst v63  }
0x6e: {  	_ = 	snop  }
0x6f: {  	[hbm4b:s5+s3] =	stream.indirect_vreg.scatter [tilespmem:s1], [sflag:$0x4], $0x80, v3, vm0, $0xb8;
	[tilespmem:$0x10280] =	vst v63  }
0x70: {  	_ = 	snop  }
0x71: {  	[hbm4b:s6+s3] =	stream.indirect_vreg.scatter [tilespmem:s4], [sflag:$0x4], $0x80, v3, vm0, $0xb8;
	[tilespmem:$0x10280] =	vst v63  }
0x72: {  	_ = 	snop  }
0x73: {  	[hbm4b:s7+s3] =	stream.indirect_vreg.scatter [tilespmem:s13], [sflag:$0x4], $0x80, v3, vm0, $0xb8;
	[tilespmem:$0x10280] =	vst v63  }
0x74: {  	v3 =	vld [tilespmem:$0x110];
	_ =	sdelay $0x4  }
0x75: {  	v59 =	vshll.u32 v3, $0x3  }
0x76: {  	v3 =	vand.u32 $0x7, v3;
	v4 =	vand.u32 $0xFFFFFFC0, v59  }
0x77: {  	v3 =	vor.u32 v3, v4  }
0x78: {  	v4 =	vperm.xlane v3, v0;
	_ =	sdelay $0x1  }
0x79: {  	v4 =	vadd.s32 v1, v4;
	_ =	sdelay $0x4  }
0x7a: {  	[hbm4b:s2+s3] =	stream.indirect_vreg.scatter [tilespmem:s14], [sflag:$0x4], $0x80, v4, vm0, $0xb8;
	[tilespmem:$0x10280] =	vst v63  }
0x7b: {  	v3 =	vperm.xlane v3, v2  }
0x7c: {  	[hbm4b:s5+s3] =	stream.indirect_vreg.scatter [tilespmem:s15], [sflag:$0x4], $0x80, v4, vm0, $0xb8;
	[tilespmem:$0x10280] =	vst v63  }
0x7d: {  	v3 =	vadd.s32 v1, v3  }
0x7e: {  	[hbm4b:s6+s3] =	stream.indirect_vreg.scatter [tilespmem:s16], [sflag:$0x4], $0x80, v4, vm0, $0xb8;
	[tilespmem:$0x10280] =	vst v63  }
0x7f: {  	_ = 	snop  }
0x80: {  	[hbm4b:s7+s3] =	stream.indirect_vreg.scatter [tilespmem:s17], [sflag:$0x4], $0x80, v4, vm0, $0xb8;
	[tilespmem:$0x10280] =	vst v63  }
0x81: {  	_ = 	snop  }
0x82: {  	[hbm4b:s2+s3] =	stream.indirect_vreg.scatter [tilespmem:s18], [sflag:$0x4], $0x80, v3, vm0, $0xb8;
	[tilespmem:$0x10280] =	vst v63  }
0x83: {  	_ = 	snop  }
0x84: {  	[hbm4b:s5+s3] =	stream.indirect_vreg.scatter [tilespmem:s19], [sflag:$0x4], $0x80, v3, vm0, $0xb8;
	[tilespmem:$0x10280] =	vst v63  }
0x85: {  	_ = 	snop  }
0x86: {  	[hbm4b:s6+s3] =	stream.indirect_vreg.scatter [tilespmem:s20], [sflag:$0x4], $0x80, v3, vm0, $0xb8;
	[tilespmem:$0x10280] =	vst v63  }
0x87: {  	_ = 	snop  }
0x88: {  	[hbm4b:s7+s3] =	stream.indirect_vreg.scatter [tilespmem:s21], [sflag:$0x4], $0x80, v3, vm0, $0xb8;
	[tilespmem:$0x10280] =	vst v63  }
0x89: {  	_ =	swait.ge [sflag:s24], $0x8000  }
0x8a: {  	[sflag:s24] =	ssyncset.done $0x0  }
0x8b: {  	s25 =	rddreg [dreg:$0x7];
	[sflag:s24] =	ssyncadd.s32 $0xFFFF8000  }
0x8c: {  	[tilespmem:s12], [sflag:$0x2] =	stream.linear.gather [hbm4b:s25+s3], $0x8000, $0x38;
	[tilespmem:$0x10280] =	vst v63  }
0x8d: {  	_ =	swait.ge [sflag:s29], $0x8000  }
0x8e: {  	[sflag:s29] =	ssyncset.done $0x0  }
0x8f: {  	[sflag:s29] =	ssyncadd.s32 $0xFFFF8000  }
0x90: {  	v3 =	vld [tilespmem:$0x180];
	_ =	sdelay $0x4  }
0x91: {  	v60 =	vshll.u32 v3, $0x3  }
0x92: {  	v3 =	vand.u32 $0x7, v3;
	v4 =	vand.u32 $0xFFFFFFC0, v60  }
0x93: {  	v3 =	vor.u32 v3, v4  }
0x94: {  	v4 =	vperm.xlane v3, v0;
	_ =	sdelay $0x1  }
0x95: {  	v4 =	vadd.s32 v1, v4;
	_ =	sdelay $0x4  }
0x96: {  	[hbm4b:s2+s3] =	stream.indirect_vreg.scatter [tilespmem:s11], [sflag:$0x3], $0x80, v4, vm0, $0xb8;
	[tilespmem:$0x10280] =	vst v63  }
0x97: {  	v3 =	vperm.xlane v3, v2  }
0x98: {  	[hbm4b:s5+s3] =	stream.indirect_vreg.scatter [tilespmem:s26], [sflag:$0x3], $0x80, v4, vm0, $0xb8;
	[tilespmem:$0x10280] =	vst v63  }
0x99: {  	v3 =	vadd.s32 v1, v3  }
0x9a: {  	[hbm4b:s6+s3] =	stream.indirect_vreg.scatter [tilespmem:s28], [sflag:$0x3], $0x80, v4, vm0, $0xb8;
	[tilespmem:$0x10280] =	vst v63  }
0x9b: {  	_ = 	snop  }
0x9c: {  	[hbm4b:s7+s3] =	stream.indirect_vreg.scatter [tilespmem:s31], [sflag:$0x3], $0x80, v4, vm0, $0xb8;
	[tilespmem:$0x10280] =	vst v63  }
0x9d: {  	s25 =	simm.s32 $0x2280  }
0x9e: {  	[hbm4b:s2+s3] =	stream.indirect_vreg.scatter [tilespmem:s25], [sflag:$0x3], $0x80, v3, vm0, $0xb8;
	[tilespmem:$0x10280] =	vst v63  }
0x9f: {  	s26 =	simm.s32 $0x2A80  }
0xa0: {  	[hbm4b:s5+s3] =	stream.indirect_vreg.scatter [tilespmem:s26], [sflag:$0x3], $0x80, v3, vm0, $0xb8;
	[tilespmem:$0x10280] =	vst v63  }
0xa1: {  	s25 =	simm.s32 $0x3280  }
0xa2: {  	[hbm4b:s6+s3] =	stream.indirect_vreg.scatter [tilespmem:s25], [sflag:$0x3], $0x80, v3, vm0, $0xb8;
	[tilespmem:$0x10280] =	vst v63  }
0xa3: {  	s26 =	simm.s32 $0x3A80  }
0xa4: {  	[hbm4b:s7+s3] =	stream.indirect_vreg.scatter [tilespmem:s26], [sflag:$0x3], $0x80, v3, vm0, $0xb8;
	[tilespmem:$0x10280] =	vst v63  }
0xa5: {  	v3 =	vld [tilespmem:$0x190];
	_ =	sdelay $0x4  }
0xa6: {  	v61 =	vshll.u32 v3, $0x3  }
0xa7: {  	v3 =	vand.u32 $0x7, v3;
	v4 =	vand.u32 $0xFFFFFFC0, v61  }
0xa8: {  	v3 =	vor.u32 v3, v4  }
0xa9: {  	v4 =	vperm.xlane v3, v0;
	_ =	sdelay $0x1  }
0xaa: {  	v4 =	vadd.s32 v1, v4;
	_ =	sdelay $0x3  }
0xab: {  	s25 =	simm.s32 $0x4280  }
0xac: {  	[hbm4b:s2+s3] =	stream.indirect_vreg.scatter [tilespmem:s25], [sflag:$0x3], $0x80, v4, vm0, $0xb8;
	[tilespmem:$0x10280] =	vst v63  }
0xad: {  	s26 =	simm.s32 $0x4A80;
	v3 =	vperm.xlane v3, v2  }
0xae: {  	[hbm4b:s5+s3] =	stream.indirect_vreg.scatter [tilespmem:s26], [sflag:$0x3], $0x80, v4, vm0, $0xb8;
	[tilespmem:$0x10280] =	vst v63  }
0xaf: {  	v3 =	vadd.s32 v1, v3;
	s25 =	simm.s32 $0x5280  }
0xb0: {  	[hbm4b:s6+s3] =	stream.indirect_vreg.scatter [tilespmem:s25], [sflag:$0x3], $0x80, v4, vm0, $0xb8;
	[tilespmem:$0x10280] =	vst v63  }
0xb1: {  	s26 =	simm.s32 $0x5A80  }
0xb2: {  	[hbm4b:s7+s3] =	stream.indirect_vreg.scatter [tilespmem:s26], [sflag:$0x3], $0x80, v4, vm0, $0xb8;
	[tilespmem:$0x10280] =	vst v63  }
0xb3: {  	s25 =	simm.s32 $0x6280  }
0xb4: {  	[hbm4b:s2+s3] =	stream.indirect_vreg.scatter [tilespmem:s25], [sflag:$0x3], $0x80, v3, vm0, $0xb8;
	[tilespmem:$0x10280] =	vst v63  }
0xb5: {  	s26 =	simm.s32 $0x6A80  }
0xb6: {  	[hbm4b:s5+s3] =	stream.indirect_vreg.scatter [tilespmem:s26], [sflag:$0x3], $0x80, v3, vm0, $0xb8;
	[tilespmem:$0x10280] =	vst v63  }
0xb7: {  	s25 =	simm.s32 $0x7280  }
0xb8: {  	[hbm4b:s6+s3] =	stream.indirect_vreg.scatter [tilespmem:s25], [sflag:$0x3], $0x80, v3, vm0, $0xb8;
	[tilespmem:$0x10280] =	vst v63  }
0xb9: {  	s26 =	simm.s32 $0x7A80  }
0xba: {  	[hbm4b:s7+s3] =	stream.indirect_vreg.scatter [tilespmem:s26], [sflag:$0x3], $0x80, v3, vm0, $0xb8;
	[tilespmem:$0x10280] =	vst v63  }
0xbb: {  	_ =	swait.ge [sflag:s0], $0x8000  }
0xbc: {  	[sflag:s0] =	ssyncset.done $0x0  }
0xbd: {  	[sflag:s0] =	ssyncadd.s32 $0xFFFF8000  }
0xbe: {  	v3 =	vld [tilespmem:$0x200];
	_ =	sdelay $0x4  }
0xbf: {  	v62 =	vshll.u32 v3, $0x3  }
0xc0: {  	v3 =	vand.u32 $0x7, v3;
	v4 =	vand.u32 $0xFFFFFFC0, v62  }
0xc1: {  	v3 =	vor.u32 v3, v4  }
0xc2: {  	v4 =	vperm.xlane v3, v0;
	_ =	sdelay $0x1  }
0xc3: {  	v4 =	vadd.s32 v1, v4;
	_ =	sdelay $0x4  }
0xc4: {  	[hbm4b:s2+s3] =	stream.indirect_vreg.scatter [tilespmem:s12], [sflag:$0x4], $0x80, v4, vm0, $0xb8;
	[tilespmem:$0x10280] =	vst v63  }
0xc5: {  	v3 =	vperm.xlane v3, v2  }
0xc6: {  	[hbm4b:s5+s3] =	stream.indirect_vreg.scatter [tilespmem:s22], [sflag:$0x4], $0x80, v4, vm0, $0xb8;
	[tilespmem:$0x10280] =	vst v63  }
0xc7: {  	v3 =	vadd.s32 v1, v3  }
0xc8: {  	[hbm4b:s6+s3] =	stream.indirect_vreg.scatter [tilespmem:s23], [sflag:$0x4], $0x80, v4, vm0, $0xb8;
	[tilespmem:$0x10280] =	vst v63  }
0xc9: {  	_ = 	snop  }
0xca: {  	[hbm4b:s7+s3] =	stream.indirect_vreg.scatter [tilespmem:s9], [sflag:$0x4], $0x80, v4, vm0, $0xb8;
	[tilespmem:$0x10280] =	vst v63  }
0xcb: {  	_ = 	snop  }
0xcc: {  	[hbm4b:s2+s3] =	stream.indirect_vreg.scatter [tilespmem:s10], [sflag:$0x4], $0x80, v3, vm0, $0xb8;
	[tilespmem:$0x10280] =	vst v63  }
0xcd: {  	_ = 	snop  }
0xce: {  	[hbm4b:s5+s3] =	stream.indirect_vreg.scatter [tilespmem:s1], [sflag:$0x4], $0x80, v3, vm0, $0xb8;
	[tilespmem:$0x10280] =	vst v63  }
0xcf: {  	_ = 	snop  }
0xd0: {  	[hbm4b:s6+s3] =	stream.indirect_vreg.scatter [tilespmem:s4], [sflag:$0x4], $0x80, v3, vm0, $0xb8;
	[tilespmem:$0x10280] =	vst v63  }
0xd1: {  	_ = 	snop  }
0xd2: {  	[hbm4b:s7+s3] =	stream.indirect_vreg.scatter [tilespmem:s13], [sflag:$0x4], $0x80, v3, vm0, $0xb8;
	[tilespmem:$0x10280] =	vst v63  }
0xd3: {  	v3 =	vld [tilespmem:$0x210];
	_ =	sdelay $0x4  }
0xd4: {  	v63 =	vshll.u32 v3, $0x3  }
0xd5: {  	v3 =	vand.u32 $0x7, v3;
	v4 =	vand.u32 $0xFFFFFFC0, v63  }
0xd6: {  	v3 =	vor.u32 v3, v4  }
0xd7: {  	v4 =	vperm.xlane v3, v0;
	_ =	sdelay $0x1  }
0xd8: {  	v4 =	vadd.s32 v1, v4;
	_ =	sdelay $0x4  }
0xd9: {  	[hbm4b:s2+s3] =	stream.indirect_vreg.scatter [tilespmem:s14], [sflag:$0x4], $0x80, v4, vm0, $0xb8;
	[tilespmem:$0x10280] =	vst v63  }
0xda: {  	v3 =	vperm.xlane v3, v2  }
0xdb: {  	[hbm4b:s5+s3] =	stream.indirect_vreg.scatter [tilespmem:s15], [sflag:$0x4], $0x80, v4, vm0, $0xb8;
	[tilespmem:$0x10280] =	vst v63  }
0xdc: {  	v3 =	vadd.s32 v1, v3  }
0xdd: {  	[hbm4b:s6+s3] =	stream.indirect_vreg.scatter [tilespmem:s16], [sflag:$0x4], $0x80, v4, vm0, $0xb8;
	[tilespmem:$0x10280] =	vst v63  }
0xde: {  	_ = 	snop  }
0xdf: {  	[hbm4b:s7+s3] =	stream.indirect_vreg.scatter [tilespmem:s17], [sflag:$0x4], $0x80, v4, vm0, $0xb8;
	[tilespmem:$0x10280] =	vst v63  }
0xe0: {  	_ = 	snop  }
0xe1: {  	[hbm4b:s2+s3] =	stream.indirect_vreg.scatter [tilespmem:s18], [sflag:$0x4], $0x80, v3, vm0, $0xb8;
	[tilespmem:$0x10280] =	vst v63  }
0xe2: {  	_ = 	snop  }
0xe3: {  	[hbm4b:s5+s3] =	stream.indirect_vreg.scatter [tilespmem:s19], [sflag:$0x4], $0x80, v3, vm0, $0xb8;
	[tilespmem:$0x10280] =	vst v63  }
0xe4: {  	_ = 	snop  }
0xe5: {  	[hbm4b:s6+s3] =	stream.indirect_vreg.scatter [tilespmem:s20], [sflag:$0x4], $0x80, v3, vm0, $0xb8;
	[tilespmem:$0x10280] =	vst v63  }
0xe6: {  	_ = 	snop  }
0xe7: {  	[hbm4b:s7+s3] =	stream.indirect_vreg.scatter [tilespmem:s21], [sflag:$0x4], $0x80, v3, vm0, $0xb8;
	[tilespmem:$0x10280] =	vst v63  }
0xe8: {  	p0 =	sne.s32 s8, $0x1;
	_ =	swait.ge [sflag:s30], $0x8000  }
.Ltmp0:
0xe9: {  	[sflag:s30] =	ssyncset.done $0x0;
	(pc) =	sbr.rel @p0 .LBB2_1-.Ltmp0, $4  }
0xea: {  	[sflag:s30] =	ssyncadd.s32 $0xFFFF8000  }
0xeb: {  	_ =	swait.ge [sflag:s24], $0x8000  }
0xec: {  	[sflag:s24] =	ssyncset.done $0x0  }
0xed: {  	s8 =	sadd.s32 $0xFFFFFFFF, s8;
	[sflag:s24] =	ssyncadd.s32 $0xFFFF8000  }
0xee: {  	_ =	sfence.sel $0x180000  }
0xef: {  	[bflag:$0x0] =	sbarrier.arrive $0xFFFF  }
0xf0: {  	_ =	strace $0x90000047  }
0xf1: {  	s0 =	stileid.u32;
	[bflag:$0x2] =	sbarrier.arrive $0xFFFF  }
0xf2: {  	p0 =	sne.s32 s0, $0x0;
	s0 =	rddreg [dreg:$0x3]  }
0xf3: {  	s0 =	sadd.s32 @!p0 $0x100000, s0  }
0xf4: {  	[sflag:s0] =	ssyncadd.tile.s32 @!p0 $0x1;
	_ =	shalt  }
.Lfunc_end2:
_tile_overlayer_lowered:
.L_overlay_start_2:
0xf5: {  	(tag) =	ssettag $0x2  }
0xf6: {  	s0 =	rddreg [dreg:$0x0];
	s2 =	stileid.u32  }
0xf7: {  	s1 =	rddreg [dreg:$0x1];
	p0 =	sne.s32 s2, $0x0  }
0xf8: {  	s3 =	rddreg [dreg:$0x2];
	[bflag:$0x3] =	sbarrier.arrive $0xFFFF;
	s2 =	simm.s32 @!p0 $0x1C05  }
0xf9: {  	[timem:s3], [sflag:s2] =	dma.local @!p0 [hbm:s0], s1  }
0xfa: {  	s0 =	simm.s32 @!p0 $0x5  }
0xfb: {  	_ =	swait.ge @!p0 [sflag:s0], s1  }
0xfc: {  	s1 =	ssub.s32 @!p0 $0x0, s1;
	[sflag:s0] =	ssyncset.done @!p0 $0x0  }
0xfd: {  	[sflag:s0] =	ssyncadd.s32 @!p0 s1  }
0xfe: {  	[bflag:$0x3] =	sbarrier.arrive $0xFFFF  }
0xff: {  	_ =	shalt  }

</sc_bundles>
